<compile_context>
chip_gen: v7x
topology: tpu7x:2x2x1
jax: 0.10.2.dev20260603
libtpu: 0.0.44.dev20260713+nightly
codegen_flags: <defaults>
</compile_context>

<pallas_src>
import functools

import jax
import jax.numpy as jnp
from jax import lax
from jax.experimental import pallas as pl
from jax.experimental.pallas import tpu as pltpu
from jax.experimental.pallas import tpu_sc as plsc

_B = 64
_K = 1024
_D = 32000
_KBLK = 256
_DBLK = 6400
_NK = _K // _KBLK
_ND = _D // _DBLK


def _dist_body(l_ref, c_ref, idx_ref, dist_ref, val_acc, lsq_acc):
    d = pl.program_id(0)
    k = pl.program_id(1)
    L = l_ref[...]
    C = c_ref[...]

    l_hi = L.astype(jnp.bfloat16)
    c_hi = C.astype(jnp.bfloat16)
    c_hi32 = c_hi.astype(jnp.float32)
    t = C - c_hi32
    P = c_hi32 * (C + t)
    p_hi = P.astype(jnp.bfloat16)
    p_lo = (P - p_hi.astype(jnp.float32)).astype(jnp.bfloat16)

    ones8 = jnp.ones((8, _DBLK), jnp.bfloat16)
    dims = (((1,), (1,)), ((), ()))
    dot = lax.dot_general(l_hi, c_hi, dims, preferred_element_type=jnp.float32)
    csq8 = lax.dot_general(ones8, p_hi, dims, preferred_element_type=jnp.float32)
    csq8 = csq8 + lax.dot_general(ones8, p_lo, dims, preferred_element_type=jnp.float32)
    part = csq8[0:1, :] - 2.0 * dot

    @pl.when(d == 0)
    def _():
        val_acc[k] = part

    @pl.when(d > 0)
    def _():
        val_acc[k] += part

    @pl.when(k == 0)
    def _():
        lsq = jnp.sum(L * L, axis=1, keepdims=True)

        @pl.when(d == 0)
        def _():
            lsq_acc[...] = lsq

        @pl.when(d > 0)
        def _():
            lsq_acc[...] += lsq

    @pl.when(d == _ND - 1)
    def _():
        val = val_acc[k]
        lmin = jnp.min(val, axis=1, keepdims=True)
        iota = lax.broadcasted_iota(jnp.int32, val.shape, 1)
        larg = jnp.min(jnp.where(val == lmin, iota, _KBLK),
                       axis=1, keepdims=True) + k * _KBLK

        @pl.when(k == 0)
        def _():
            dist_ref[...] = lmin
            idx_ref[...] = larg

        @pl.when(k > 0)
        def _():
            better = lmin < dist_ref[...]
            dist_ref[...] = jnp.where(better, lmin, dist_ref[...])
            idx_ref[...] = jnp.where(better, larg, idx_ref[...])

        @pl.when(k == _NK - 1)
        def _():
            dist_ref[...] = jnp.sqrt(
                jnp.maximum(dist_ref[...] + lsq_acc[...], 0.0))


def _nearest(latents_flat, codebook_flat):
    out = pl.pallas_call(
        _dist_body,
        grid=(_ND, _NK),
        in_specs=[
            pl.BlockSpec((_B, _DBLK), lambda d, k: (0, d)),
            pl.BlockSpec((_KBLK, _DBLK), lambda d, k: (k, d)),
        ],
        out_specs=[
            pl.BlockSpec((_B, 1), lambda d, k: (0, 0)),
            pl.BlockSpec((_B, 1), lambda d, k: (0, 0)),
        ],
        out_shape=[
            jax.ShapeDtypeStruct((_B, 1), jnp.int32),
            jax.ShapeDtypeStruct((_B, 1), jnp.float32),
        ],
        scratch_shapes=[
            pltpu.VMEM((_NK, _B, _KBLK), jnp.float32),
            pltpu.VMEM((_B, 1), jnp.float32),
        ],
    )(latents_flat, codebook_flat)
    return out[0][:, 0], out[1][:, 0]


def _sc_gather(codebook_flat, indices):
    info = plsc.get_sparse_core_info()
    nw = info.num_cores * info.num_subcores
    bpw = _B // nw
    idx2d = indices.reshape(nw, bpw)
    mesh = plsc.VectorSubcoreMesh(core_axis_name="c", subcore_axis_name="s")

    @functools.partial(
        pl.kernel,
        mesh=mesh,
        out_type=jax.ShapeDtypeStruct((_B, _D), jnp.float32),
        scratch_types=[
            pltpu.VMEM((bpw,), jnp.int32),
            pltpu.VMEM((bpw, _D), jnp.float32),
            pltpu.SemaphoreType.DMA,
        ],
    )
    def gather(table_hbm, idx_hbm, out_hbm, idx_v, rows_v, sem):
        wid = lax.axis_index("s") * info.num_cores + lax.axis_index("c")
        pltpu.sync_copy(idx_hbm.at[wid], idx_v)
        pltpu.async_copy(table_hbm.at[idx_v], rows_v, sem).wait()
        pltpu.sync_copy(rows_v, out_hbm.at[pl.ds(wid * bpw, bpw)])

    return gather(codebook_flat, idx2d)


def kernel(latents, codebook):
    latents_flat = latents.reshape(_B, _D)
    codebook_flat = codebook.reshape(_K, _D)
    indices, min_distances = _nearest(latents_flat, codebook_flat)
    quantized = _sc_gather(codebook_flat, indices)
    quantized = quantized.reshape((_B,) + codebook.shape[1:])
    return (indices, quantized, min_distances)

# --- scband reference (transcript-rebuilt; emitter-appended) ---
"""Pipeline reference for scband-audio-ldm2-ddcm-2044404433534 (READ-ONLY COPY).

The authoritative reference and input builder live on the scoring server;
editing this copy changes nothing except your own understanding.
"""

import jax, jax.numpy as jnp
import numpy as np

CODEBOOK_SIZE = 1024
LATENT_DIM = 8
LATENT_HEIGHT = 250
LATENT_WIDTH = 16
BATCH = 64


def setup_inputs(seed: int = 0) -> dict:
    key = jax.random.key(seed)
    k1, k2 = jax.random.split(key)
    latents = jax.random.normal(k1, (BATCH, LATENT_DIM, LATENT_HEIGHT, LATENT_WIDTH), dtype=jnp.float32)
    codebook = jax.random.normal(k2, (CODEBOOK_SIZE, LATENT_DIM, LATENT_HEIGHT, LATENT_WIDTH), dtype=jnp.float32)
    return {"latents": latents, "codebook": codebook}


def reference(latents, codebook):
    # Faithful translation of AudioCodebook.find_nearest_codes
    batch_size = latents.shape[0]
    K = codebook.shape[0]
    latents_flat = latents.astype(jnp.float32).reshape(batch_size, -1)
    codebook_flat = codebook.astype(jnp.float32).reshape(K, -1)
    # torch.cdist(p=2): euclidean distance matrix [B, K]
    l_sq = jnp.sum(latents_flat * latents_flat, axis=1, keepdims=True)
    c_sq = jnp.sum(codebook_flat * codebook_flat, axis=1)[None, :]
    d2 = l_sq + c_sq - 2.0 * (latents_flat @ codebook_flat.T)
    distances = jnp.sqrt(jnp.clip(d2, 0.0, None))
    indices = jnp.argmin(distances, axis=1)
    min_distances = jnp.take_along_axis(distances, indices[:, None], axis=1)[:, 0]
    quantized = jnp.take(codebook.astype(jnp.float32), indices, axis=0)
    return (indices, quantized, min_distances)

if __name__ == "__main__":
    import jax
    _d = setup_inputs()
    print(jax.jit(kernel)(*tuple(_d.values())))

</pallas_src>

<mosaic_0001>
#map = affine_map<(d0, d1) -> (0, 0)>
module attributes {stable_mosaic.version = 14 : i64} {
  func.func @gather(%arg0: i32, %arg1: i32, %arg2: memref<1024x32000xf32, #tpu.memory_space<hbm>>, %arg3: memref<32x2xi32, #tpu.memory_space<hbm>>, %arg4: memref<64x32000xf32, #tpu.memory_space<hbm>>, %arg5: memref<2xi32, #tpu.memory_space<vmem>>, %arg6: memref<2x32000xf32, #tpu.memory_space<vmem>>, %arg7: memref<!tpu.dma_semaphore, #tpu.memory_space<semaphore_mem>>) attributes {dimension_semantics = [#tpu.dimension_semantics<core_parallel>, #tpu.dimension_semantics<subcore_parallel>], iteration_bounds = array<i64: 2, 16>, scalar_prefetch = 0 : i64, scratch_operands = 3 : i64, tpu.core_type = #tpu.core_type<sc_vector_subcore>, window_params = [{transform_indices = #map}, {transform_indices = #map}, {transform_indices = #map}]} {
    %mul3A = arith.constant 2 : i32
    %mul3A_0 = arith.muli %arg1, %mul3A : i32
    %add3A = arith.addi %mul3A_0, %arg0 : i32
    "tpu.region"() ({
      %run_scoped3A = tpu.sem_alloc : memref<!tpu.dma_semaphore, #tpu.memory_space<semaphore_mem>>
      %dma_start3A_7 = arith.constant 0 : i32
      %dma_start3A_8 = tpu.memref_slice %arg3[%add3A, %dma_start3A_7] : memref<32x2xi32, #tpu.memory_space<hbm>> -> memref<1x2xi32, #tpu.memory_space<hbm>>
      %dma_start3A_9 = tpu.memref_squeeze %dma_start3A_8 : memref<1x2xi32, #tpu.memory_space<hbm>> -> memref<2xi32, #tpu.memory_space<hbm>>
      %dma_start3A_10 = arith.constant 0 : i32
      %dma_start3A_11 = tpu.memref_slice %arg3[%add3A, %dma_start3A_10] : memref<32x2xi32, #tpu.memory_space<hbm>> -> memref<1x2xi32, #tpu.memory_space<hbm>>
      %dma_start3A_12 = tpu.memref_squeeze %dma_start3A_11 : memref<1x2xi32, #tpu.memory_space<hbm>> -> memref<2xi32, #tpu.memory_space<hbm>>
      tpu.enqueue_dma source(%dma_start3A_12 : memref<2xi32, #tpu.memory_space<hbm>>) target(%arg5 : memref<2xi32, #tpu.memory_space<vmem>>) target_semaphore(%run_scoped3A : memref<!tpu.dma_semaphore, #tpu.memory_space<semaphore_mem>>)
      %dma_wait3A_13 = arith.constant 0 : i32
      %dma_wait3A_14 = tpu.memref_slice %arg3[%add3A, %dma_wait3A_13] : memref<32x2xi32, #tpu.memory_space<hbm>> -> memref<1x2xi32, #tpu.memory_space<hbm>>
      %dma_wait3A_15 = tpu.memref_squeeze %dma_wait3A_14 : memref<1x2xi32, #tpu.memory_space<hbm>> -> memref<2xi32, #tpu.memory_space<hbm>>
      %dma_wait3A_16 = arith.constant 0 : i32
      %dma_wait3A_17 = tpu.memref_slice %arg3[%add3A, %dma_wait3A_16] : memref<32x2xi32, #tpu.memory_space<hbm>> -> memref<1x2xi32, #tpu.memory_space<hbm>>
      %dma_wait3A_18 = tpu.memref_squeeze %dma_wait3A_17 : memref<1x2xi32, #tpu.memory_space<hbm>> -> memref<2xi32, #tpu.memory_space<hbm>>
      tpu.wait_dma2 semaphore(%run_scoped3A : memref<!tpu.dma_semaphore, #tpu.memory_space<semaphore_mem>>) src(%dma_wait3A_18 : memref<2xi32, #tpu.memory_space<hbm>>) dst(%arg5 : memref<2xi32, #tpu.memory_space<vmem>>)
      tpu.yield
    }) : () -> ()
    %dma_start3A = arith.constant 0 : i32
    %dma_start3A_1 = arith.constant 0 : i32
    %dma_start3A_2 = tpu.memref_slice %arg2[%dma_start3A, %dma_start3A_1] : memref<1024x32000xf32, #tpu.memory_space<hbm>> -> memref<1024x32000xf32, #tpu.memory_space<hbm>>
    tpu.enqueue_indirect_dma source(%dma_start3A_2 : memref<1024x32000xf32, #tpu.memory_space<hbm>>) target(%arg6 : memref<2x32000xf32, #tpu.memory_space<vmem>>) offsets(%arg5 : memref<2xi32, #tpu.memory_space<vmem>>) semaphore(%arg7 : memref<!tpu.dma_semaphore, #tpu.memory_space<semaphore_mem>>)
    %dma_wait3A = arith.constant 0 : i32
    %dma_wait3A_3 = arith.constant 0 : i32
    %dma_wait3A_4 = tpu.memref_slice %arg2[%dma_wait3A, %dma_wait3A_3] : memref<1024x32000xf32, #tpu.memory_space<hbm>> -> memref<1024x32000xf32, #tpu.memory_space<hbm>>
    tpu.wait_indirect_dma semaphore(%arg7 : memref<!tpu.dma_semaphore, #tpu.memory_space<semaphore_mem>>) src(%dma_wait3A_4 : memref<1024x32000xf32, #tpu.memory_space<hbm>>) dst(%arg6 : memref<2x32000xf32, #tpu.memory_space<vmem>>)
    %mul3A_5 = arith.constant 2 : i32
    %mul3A_6 = arith.muli %add3A, %mul3A_5 : i32
    "tpu.region"() ({
      %run_scoped3A = tpu.sem_alloc : memref<!tpu.dma_semaphore, #tpu.memory_space<semaphore_mem>>
      %dma_start3A_7 = arith.constant 0 : i32
      %dma_start3A_8 = tpu.memref_slice %arg4[%mul3A_6, %dma_start3A_7] : memref<64x32000xf32, #tpu.memory_space<hbm>> -> memref<2x32000xf32, #tpu.memory_space<hbm>>
      %dma_start3A_9 = arith.constant 0 : i32
      %dma_start3A_10 = tpu.memref_slice %arg4[%mul3A_6, %dma_start3A_9] : memref<64x32000xf32, #tpu.memory_space<hbm>> -> memref<2x32000xf32, #tpu.memory_space<hbm>>
      tpu.enqueue_dma source(%arg6 : memref<2x32000xf32, #tpu.memory_space<vmem>>) target(%dma_start3A_10 : memref<2x32000xf32, #tpu.memory_space<hbm>>) target_semaphore(%run_scoped3A : memref<!tpu.dma_semaphore, #tpu.memory_space<semaphore_mem>>)
      %dma_wait3A_11 = arith.constant 0 : i32
      %dma_wait3A_12 = tpu.memref_slice %arg4[%mul3A_6, %dma_wait3A_11] : memref<64x32000xf32, #tpu.memory_space<hbm>> -> memref<2x32000xf32, #tpu.memory_space<hbm>>
      %dma_wait3A_13 = arith.constant 0 : i32
      %dma_wait3A_14 = tpu.memref_slice %arg4[%mul3A_6, %dma_wait3A_13] : memref<64x32000xf32, #tpu.memory_space<hbm>> -> memref<2x32000xf32, #tpu.memory_space<hbm>>
      tpu.wait_dma2 semaphore(%run_scoped3A : memref<!tpu.dma_semaphore, #tpu.memory_space<semaphore_mem>>) src(%arg6 : memref<2x32000xf32, #tpu.memory_space<vmem>>) dst(%dma_wait3A_14 : memref<2x32000xf32, #tpu.memory_space<hbm>>)
      tpu.yield
    }) : () -> ()
    return
  }
}

module attributes {stable_mosaic.version = 14 : i64} {
  func.func @_dist_body(%arg0: i32, %arg1: i32, %arg2: memref<64x6400xf32, #tpu.memory_space<vmem>>, %arg3: memref<256x6400xf32, #tpu.memory_space<vmem>>, %arg4: memref<64x1xi32, #tpu.memory_space<vmem>>, %arg5: memref<64x1xf32, #tpu.memory_space<vmem>>, %arg6: memref<4x64x256xf32, #tpu.memory_space<vmem>>, %arg7: memref<64x1xf32, #tpu.memory_space<vmem>>) attributes {dimension_semantics = [#tpu.dimension_semantics<arbitrary>, #tpu.dimension_semantics<arbitrary>], iteration_bounds = array<i64: 5, 4>, scalar_prefetch = 0 : i64, scratch_operands = 2 : i64, tpu.core_type = #tpu.core_type<tc>, window_params = [{transform_indices = @transform_0, window_bounds = array<i64: 64, 6400>}, {transform_indices = @transform_1, window_bounds = array<i64: 256, 6400>}, {pipeline_mode = #tpu.pipeline_mode<synchronous>, transform_indices = @transform_2, window_bounds = array<i64: 64, 1>}, {pipeline_mode = #tpu.pipeline_mode<synchronous>, transform_indices = @transform_3, window_bounds = array<i64: 64, 1>}]} {
    %get3A = arith.constant 0 : index
    %get3A_0 = arith.constant 0 : index
    %get3A_1 = vector.load %arg2[%get3A, %get3A_0] : memref<64x6400xf32, #tpu.memory_space<vmem>>, vector<64x6400xf32>
    %get3A_2 = arith.constant 0 : index
    %get3A_3 = arith.constant 0 : index
    %get3A_4 = vector.load %arg3[%get3A_2, %get3A_3] : memref<256x6400xf32, #tpu.memory_space<vmem>>, vector<256x6400xf32>
    %convert_element_type3A = arith.truncf %get3A_1 : vector<64x6400xf32> to vector<64x6400xbf16>
    %convert_element_type3A_5 = arith.truncf %get3A_4 : vector<256x6400xf32> to vector<256x6400xbf16>
    %convert_element_type3A_6 = arith.extf %convert_element_type3A_5 : vector<256x6400xbf16> to vector<256x6400xf32>
    %sub3A = arith.subf %get3A_4, %convert_element_type3A_6 : vector<256x6400xf32>
    %add3A = arith.addf %get3A_4, %sub3A : vector<256x6400xf32>
    %mul3A = arith.mulf %convert_element_type3A_6, %add3A : vector<256x6400xf32>
    %convert_element_type3A_7 = arith.truncf %mul3A : vector<256x6400xf32> to vector<256x6400xbf16>
    %convert_element_type3A_8 = arith.extf %convert_element_type3A_7 : vector<256x6400xbf16> to vector<256x6400xf32>
    %sub3A_9 = arith.subf %mul3A, %convert_element_type3A_8 : vector<256x6400xf32>
    %convert_element_type3A_10 = arith.truncf %sub3A_9 : vector<256x6400xf32> to vector<256x6400xbf16>
    %broadcast_in_dim3A = arith.constant 1.000000e+00 : bf16
    %broadcast_in_dim3A_11 = vector.broadcast %broadcast_in_dim3A : bf16 to vector<8x6400xbf16>
    %dot_general3A = arith.constant dense<0.000000e+00> : vector<64x256xf32>
    %dot_general3A_12 = tpu.matmul %convert_element_type3A, %convert_element_type3A_5, %dot_general3A {dimension_numbers = #tpu.dot_dimension_numbers<[1], [1], [0], [0], [0, 0, 1, 0], [], []>, transpose_lhs_hint = false} : vector<64x6400xbf16>, vector<256x6400xbf16>, vector<64x256xf32> -> vector<64x256xf32>
    %dot_general3A_13 = arith.constant dense<0.000000e+00> : vector<8x256xf32>
    %dot_general3A_14 = tpu.matmul %broadcast_in_dim3A_11, %convert_element_type3A_7, %dot_general3A_13 {dimension_numbers = #tpu.dot_dimension_numbers<[1], [1], [0], [0], [0, 0, 1, 0], [], []>, transpose_lhs_hint = false} : vector<8x6400xbf16>, vector<256x6400xbf16>, vector<8x256xf32> -> vector<8x256xf32>
    %dot_general3A_15 = arith.constant dense<0.000000e+00> : vector<8x256xf32>
    %dot_general3A_16 = tpu.matmul %broadcast_in_dim3A_11, %convert_element_type3A_10, %dot_general3A_15 {dimension_numbers = #tpu.dot_dimension_numbers<[1], [1], [0], [0], [0, 0, 1, 0], [], []>, transpose_lhs_hint = false} : vector<8x6400xbf16>, vector<256x6400xbf16>, vector<8x256xf32> -> vector<8x256xf32>
    %add3A_17 = arith.addf %dot_general3A_14, %dot_general3A_16 : vector<8x256xf32>
    %slice3A = vector.extract_strided_slice %add3A_17 {offsets = [0, 0], sizes = [1, 256], strides = [1, 1]} : vector<8x256xf32> to vector<1x256xf32>
    %mul3A_18 = arith.constant 2.000000e+00 : f32
    %mul3A_19 = vector.broadcast %mul3A_18 : f32 to vector<64x256xf32>
    %mul3A_20 = arith.mulf %mul3A_19, %dot_general3A_12 : vector<64x256xf32>
    %sub3A_21 = vector.broadcast %slice3A : vector<1x256xf32> to vector<64x256xf32>
    %sub3A_22 = arith.subf %sub3A_21, %mul3A_20 : vector<64x256xf32>
    %eq3A = arith.constant 0 : i32
    %eq3A_23 = arith.cmpi eq, %arg0, %eq3A : i32
    %convert_element_type3A_24 = arith.extui %eq3A_23 : i1 to i32
    %cond3A = arith.constant 0 : i32
    %cond3A_25 = arith.cmpi ne, %convert_element_type3A_24, %cond3A : i32
    scf.if %cond3A_25 {
      %swap3A = arith.index_cast %arg1 : i32 to index
      %swap3A_40 = arith.constant 0 : index
      %swap3A_41 = arith.constant 0 : index
      %swap3A_42 = vector.load %arg6[%swap3A, %swap3A_40, %swap3A_41] : memref<4x64x256xf32, #tpu.memory_space<vmem>>, vector<1x64x256xf32>
      %swap3A_43 = vector.shape_cast %swap3A_42 : vector<1x64x256xf32> to vector<64x256xf32>
      %swap3A_44 = vector.shape_cast %sub3A_22 : vector<64x256xf32> to vector<1x64x256xf32>
      tpu.vector_store %arg6[%swap3A, %swap3A_40, %swap3A_41], %swap3A_44 {strides = array<i32>} : memref<4x64x256xf32, #tpu.memory_space<vmem>>, vector<1x64x256xf32>,
    } else {
    }
    %gt3A = arith.constant 0 : i32
    %gt3A_26 = arith.cmpi sgt, %arg0, %gt3A : i32
    %convert_element_type3A_27 = arith.extui %gt3A_26 : i1 to i32
    %cond3A_28 = arith.constant 0 : i32
    %cond3A_29 = arith.cmpi ne, %convert_element_type3A_27, %cond3A_28 : i32
    scf.if %cond3A_29 {
      %get3A_40 = arith.index_cast %arg1 : i32 to index
      %get3A_41 = arith.constant 0 : index
      %get3A_42 = arith.constant 0 : index
      %get3A_43 = vector.load %arg6[%get3A_40, %get3A_41, %get3A_42] : memref<4x64x256xf32, #tpu.memory_space<vmem>>, vector<1x64x256xf32>
      %get3A_44 = vector.shape_cast %get3A_43 : vector<1x64x256xf32> to vector<64x256xf32>
      %add3A_45 = arith.addf %get3A_44, %sub3A_22 : vector<64x256xf32>
      %swap3A = arith.index_cast %arg1 : i32 to index
      %swap3A_46 = arith.constant 0 : index
      %swap3A_47 = arith.constant 0 : index
      %swap3A_48 = vector.load %arg6[%swap3A, %swap3A_46, %swap3A_47] : memref<4x64x256xf32, #tpu.memory_space<vmem>>, vector<1x64x256xf32>
      %swap3A_49 = vector.shape_cast %swap3A_48 : vector<1x64x256xf32> to vector<64x256xf32>
      %swap3A_50 = vector.shape_cast %add3A_45 : vector<64x256xf32> to vector<1x64x256xf32>
      tpu.vector_store %arg6[%swap3A, %swap3A_46, %swap3A_47], %swap3A_50 {strides = array<i32>} : memref<4x64x256xf32, #tpu.memory_space<vmem>>, vector<1x64x256xf32>,
    } else {
    }
    %eq3A_30 = arith.constant 0 : i32
    %eq3A_31 = arith.cmpi eq, %arg1, %eq3A_30 : i32
    %convert_element_type3A_32 = arith.extui %eq3A_31 : i1 to i32
    %cond3A_33 = arith.constant 0 : i32
    %cond3A_34 = arith.cmpi ne, %convert_element_type3A_32, %cond3A_33 : i32
    scf.if %cond3A_34 {
      %mul3A_40 = arith.mulf %get3A_1, %get3A_1 : vector<64x6400xf32>
      %reduce_sum3A = arith.constant dense<0.000000e+00> : vector<64xf32>
      %reduce_sum3A_41 = vector.multi_reduction <add>, %mul3A_40, %reduce_sum3A [1] : vector<64x6400xf32> to vector<64xf32>
      %broadcast_in_dim3A_42 = vector.shape_cast %reduce_sum3A_41 : vector<64xf32> to vector<64x1xf32>
      %eq3A_43 = arith.constant 0 : i32
      %eq3A_44 = arith.cmpi eq, %arg0, %eq3A_43 : i32
      %convert_element_type3A_45 = arith.extui %eq3A_44 : i1 to i32
      %cond3A_46 = arith.constant 0 : i32
      %cond3A_47 = arith.cmpi ne, %convert_element_type3A_45, %cond3A_46 : i32
      scf.if %cond3A_47 {
        %swap3A = arith.constant 0 : index
        %swap3A_53 = arith.constant 0 : index
        %swap3A_54 = vector.load %arg7[%swap3A, %swap3A_53] : memref<64x1xf32, #tpu.memory_space<vmem>>, vector<64x1xf32>
        tpu.vector_store %arg7[%swap3A, %swap3A_53], %broadcast_in_dim3A_42 {strides = array<i32>} : memref<64x1xf32, #tpu.memory_space<vmem>>, vector<64x1xf32>,
      } else {
      }
      %gt3A_48 = arith.constant 0 : i32
      %gt3A_49 = arith.cmpi sgt, %arg0, %gt3A_48 : i32
      %convert_element_type3A_50 = arith.extui %gt3A_49 : i1 to i32
      %cond3A_51 = arith.constant 0 : i32
      %cond3A_52 = arith.cmpi ne, %convert_element_type3A_50, %cond3A_51 : i32
      scf.if %cond3A_52 {
        %get3A_53 = arith.constant 0 : index
        %get3A_54 = arith.constant 0 : index
        %get3A_55 = vector.load %arg7[%get3A_53, %get3A_54] : memref<64x1xf32, #tpu.memory_space<vmem>>, vector<64x1xf32>
        %add3A_56 = arith.addf %get3A_55, %broadcast_in_dim3A_42 : vector<64x1xf32>
        %swap3A = arith.constant 0 : index
        %swap3A_57 = arith.constant 0 : index
        %swap3A_58 = vector.load %arg7[%swap3A, %swap3A_57] : memref<64x1xf32, #tpu.memory_space<vmem>>, vector<64x1xf32>
        tpu.vector_store %arg7[%swap3A, %swap3A_57], %add3A_56 {strides = array<i32>} : memref<64x1xf32, #tpu.memory_space<vmem>>, vector<64x1xf32>,
      } else {
      }
    } else {
    }
    %eq3A_35 = arith.constant 4 : i32
    %eq3A_36 = arith.cmpi eq, %arg0, %eq3A_35 : i32
    %convert_element_type3A_37 = arith.extui %eq3A_36 : i1 to i32
    %cond3A_38 = arith.constant 0 : i32
    %cond3A_39 = arith.cmpi ne, %convert_element_type3A_37, %cond3A_38 : i32
    scf.if %cond3A_39 {
      %get3A_40 = arith.index_cast %arg1 : i32 to index
      %get3A_41 = arith.constant 0 : index
      %get3A_42 = arith.constant 0 : index
      %get3A_43 = vector.load %arg6[%get3A_40, %get3A_41, %get3A_42] : memref<4x64x256xf32, #tpu.memory_space<vmem>>, vector<1x64x256xf32>
      %get3A_44 = vector.shape_cast %get3A_43 : vector<1x64x256xf32> to vector<64x256xf32>
      %reduce_min3A = arith.constant dense<0x7F800000> : vector<64xf32>
      %reduce_min3A_45 = vector.multi_reduction <minimumf>, %get3A_44, %reduce_min3A [1] : vector<64x256xf32> to vector<64xf32>
      %broadcast_in_dim3A_46 = vector.shape_cast %reduce_min3A_45 : vector<64xf32> to vector<64x1xf32>
      %iota3A = tpu.iota {dimensions = array<i32: 1>} : vector<64x256xi32>
      %eq3A_47 = vector.broadcast %broadcast_in_dim3A_46 : vector<64x1xf32> to vector<64x256xf32>
      %eq3A_48 = arith.cmpf oeq, %get3A_44, %eq3A_47 : vector<64x256xf32>
      %jit3A = arith.constant 256 : i32
      %broadcast_in_dim3A_49 = vector.broadcast %jit3A : i32 to vector<64x256xi32>
      %select_n3A = arith.select %eq3A_48, %iota3A, %broadcast_in_dim3A_49 : vector<64x256xi1>, vector<64x256xi32>
      %reduce_min3A_50 = arith.constant dense<2147483647> : vector<64xi32>
      %reduce_min3A_51 = vector.multi_reduction <minsi>, %select_n3A, %reduce_min3A_50 [1] : vector<64x256xi32> to vector<64xi32>
      %broadcast_in_dim3A_52 = vector.shape_cast %reduce_min3A_51 : vector<64xi32> to vector<64x1xi32>
      %mul3A_53 = arith.constant 256 : i32
      %mul3A_54 = arith.muli %arg1, %mul3A_53 : i32
      %add3A_55 = vector.broadcast %mul3A_54 : i32 to vector<64x1xi32>
      %add3A_56 = arith.addi %broadcast_in_dim3A_52, %add3A_55 : vector<64x1xi32>
      %eq3A_57 = arith.constant 0 : i32
      %eq3A_58 = arith.cmpi eq, %arg1, %eq3A_57 : i32
      %convert_element_type3A_59 = arith.extui %eq3A_58 : i1 to i32
      %cond3A_60 = arith.constant 0 : i32
      %cond3A_61 = arith.cmpi ne, %convert_element_type3A_59, %cond3A_60 : i32
      scf.if %cond3A_61 {
        %swap3A = arith.constant 0 : index
        %swap3A_72 = arith.constant 0 : index
        %swap3A_73 = vector.load %arg5[%swap3A, %swap3A_72] : memref<64x1xf32, #tpu.memory_space<vmem>>, vector<64x1xf32>
        tpu.vector_store %arg5[%swap3A, %swap3A_72], %broadcast_in_dim3A_46 {strides = array<i32>} : memref<64x1xf32, #tpu.memory_space<vmem>>, vector<64x1xf32>,
        %swap3A_74 = arith.constant 0 : index
        %swap3A_75 = arith.constant 0 : index
        %swap3A_76 = vector.load %arg4[%swap3A_74, %swap3A_75] : memref<64x1xi32, #tpu.memory_space<vmem>>, vector<64x1xi32>
        tpu.vector_store %arg4[%swap3A_74, %swap3A_75], %add3A_56 {strides = array<i32>} : memref<64x1xi32, #tpu.memory_space<vmem>>, vector<64x1xi32>,
      } else {
      }
      %gt3A_62 = arith.constant 0 : i32
      %gt3A_63 = arith.cmpi sgt, %arg1, %gt3A_62 : i32
      %convert_element_type3A_64 = arith.extui %gt3A_63 : i1 to i32
      %cond3A_65 = arith.constant 0 : i32
      %cond3A_66 = arith.cmpi ne, %convert_element_type3A_64, %cond3A_65 : i32
      scf.if %cond3A_66 {
        %get3A_72 = arith.constant 0 : index
        %get3A_73 = arith.constant 0 : index
        %get3A_74 = vector.load %arg5[%get3A_72, %get3A_73] : memref<64x1xf32, #tpu.memory_space<vmem>>, vector<64x1xf32>
        %lt3A = arith.cmpf olt, %broadcast_in_dim3A_46, %get3A_74 : vector<64x1xf32>
        %get3A_75 = arith.constant 0 : index
        %get3A_76 = arith.constant 0 : index
        %get3A_77 = vector.load %arg5[%get3A_75, %get3A_76] : memref<64x1xf32, #tpu.memory_space<vmem>>, vector<64x1xf32>
        %select_n3A_78 = arith.select %lt3A, %broadcast_in_dim3A_46, %get3A_77 : vector<64x1xi1>, vector<64x1xf32>
        %swap3A = arith.constant 0 : index
        %swap3A_79 = arith.constant 0 : index
        %swap3A_80 = vector.load %arg5[%swap3A, %swap3A_79] : memref<64x1xf32, #tpu.memory_space<vmem>>, vector<64x1xf32>
        tpu.vector_store %arg5[%swap3A, %swap3A_79], %select_n3A_78 {strides = array<i32>} : memref<64x1xf32, #tpu.memory_space<vmem>>, vector<64x1xf32>,
        %get3A_81 = arith.constant 0 : index
        %get3A_82 = arith.constant 0 : index
        %get3A_83 = vector.load %arg4[%get3A_81, %get3A_82] : memref<64x1xi32, #tpu.memory_space<vmem>>, vector<64x1xi32>
        %select_n3A_84 = arith.select %lt3A, %add3A_56, %get3A_83 : vector<64x1xi1>, vector<64x1xi32>
        %swap3A_85 = arith.constant 0 : index
        %swap3A_86 = arith.constant 0 : index
        %swap3A_87 = vector.load %arg4[%swap3A_85, %swap3A_86] : memref<64x1xi32, #tpu.memory_space<vmem>>, vector<64x1xi32>
        tpu.vector_store %arg4[%swap3A_85, %swap3A_86], %select_n3A_84 {strides = array<i32>} : memref<64x1xi32, #tpu.memory_space<vmem>>, vector<64x1xi32>,
      } else {
      }
      %eq3A_67 = arith.constant 3 : i32
      %eq3A_68 = arith.cmpi eq, %arg1, %eq3A_67 : i32
      %convert_element_type3A_69 = arith.extui %eq3A_68 : i1 to i32
      %cond3A_70 = arith.constant 0 : i32
      %cond3A_71 = arith.cmpi ne, %convert_element_type3A_69, %cond3A_70 : i32
      scf.if %cond3A_71 {
        %get3A_72 = arith.constant 0 : index
        %get3A_73 = arith.constant 0 : index
        %get3A_74 = vector.load %arg5[%get3A_72, %get3A_73] : memref<64x1xf32, #tpu.memory_space<vmem>>, vector<64x1xf32>
        %get3A_75 = arith.constant 0 : index
        %get3A_76 = arith.constant 0 : index
        %get3A_77 = vector.load %arg7[%get3A_75, %get3A_76] : memref<64x1xf32, #tpu.memory_space<vmem>>, vector<64x1xf32>
        %add3A_78 = arith.addf %get3A_74, %get3A_77 : vector<64x1xf32>
        %max3A = arith.constant 0.000000e+00 : f32
        %max3A_79 = vector.broadcast %max3A : f32 to vector<64x1xf32>
        %max3A_80 = arith.maximumf %add3A_78, %max3A_79 : vector<64x1xf32>
        %sqrt3A = math.sqrt %max3A_80 : vector<64x1xf32>
        %swap3A = arith.constant 0 : index
        %swap3A_81 = arith.constant 0 : index
        %swap3A_82 = vector.load %arg5[%swap3A, %swap3A_81] : memref<64x1xf32, #tpu.memory_space<vmem>>, vector<64x1xf32>
        tpu.vector_store %arg5[%swap3A, %swap3A_81], %sqrt3A {strides = array<i32>} : memref<64x1xf32, #tpu.memory_space<vmem>>, vector<64x1xf32>,
      } else {
      }
    } else {
    }
    return
  }
  func.func @transform_0(%arg0: i32, %arg1: i32) -> (i32, i32) {
    %c0_i32 = arith.constant 0 : i32
    %c0_i32_0 = arith.constant 0 : i32
    return %c0_i32, %arg0 : i32, i32
  }
  func.func @transform_1(%arg0: i32, %arg1: i32) -> (i32, i32) {
    %c0_i32 = arith.constant 0 : i32
    return %arg1, %arg0 : i32, i32
  }
  func.func @transform_2(%arg0: i32, %arg1: i32) -> (i32, i32) {
    %c0_i32 = arith.constant 0 : i32
    %c0_i32_0 = arith.constant 0 : i32
    %c0_i32_1 = arith.constant 0 : i32
    return %c0_i32, %c0_i32_0 : i32, i32
  }
  func.func @transform_3(%arg0: i32, %arg1: i32) -> (i32, i32) {
    %c0_i32 = arith.constant 0 : i32
    %c0_i32_0 = arith.constant 0 : i32
    %c0_i32_1 = arith.constant 0 : i32
    return %c0_i32, %c0_i32_0 : i32, i32
  }
}

</mosaic_0001>

<sc_bundles>
// kernel: kernel.4.cloned.1.call-start
scs
__scs_entry_jumppad:
0x0: {  	(pc) =	sbr.rel $0x88, $3  }
0x1: {  	(tag) =	ssettag $0x0;
	lr =	simm.s32 $0x1  }
0x2: {  	[smem:$0x3F9F] =	sst lr;
	_ =	strace $0xD0000000  }
0x3: {  	_ = 	snop  }
0x4: {  	_ = 	snop  }
0x5: {  	_ = 	snop  }
0x6: {  	_ = 	snop  }
0x7: {  	_ = 	snop  }
__scs_overlays_trampoline_lowered:
0x8: {  	[smem:$0x3FAE] =	sst s0  }
0x9: {  	[smem:$0x3FAF] =	sst s1  }
0xa: {  	[smem:$0x3FB0] =	sst s2  }
0xb: {  	[smem:$0x3FB1] =	sst s3  }
0xc: {  	[smem:$0x3FB2] =	sst s4  }
0xd: {  	[smem:$0x3FB3] =	sst s5  }
0xe: {  	[smem:$0x3FB4] =	sst s6  }
0xf: {  	[smem:$0x3FB5] =	sst s7  }
0x10: {  	[smem:$0x3FB6] =	sst s8  }
0x11: {  	[smem:$0x3FB7] =	sst s9;
	s0 =	simm.s32 @!p0 $0x0  }
0x12: {  	s1 =	sld [smem:$0x3F9D];
	s0 =	simm.s32 @p0 $0x1  }
0x13: {  	[smem:$0x3FB8] =	sst s0;
	s0 =	simm.s32 @!p1 $0x0  }
0x14: {  	s2 =	sld [smem:$0x3F9C];
	s0 =	simm.s32 @p1 $0x1  }
0x15: {  	[smem:$0x3FB9] =	sst s0;
	s0 =	simm.s32 @!p2 $0x0  }
0x16: {  	s3 =	sld [smem:$0x3FDB];
	s0 =	simm.s32 @p2 $0x1  }
0x17: {  	s4 =	simm.s32 $0x1BF5;
	[smem:$0x3FBB] =	sst s0  }
0x18: {  	s0 =	sld [smem:$0x3F9E];
	_ =	swait.ge [sflag:s4], $0x0  }
0x19: {  	s7 =	sld [smem:$0x3F9F]  }
0x1a: {  	s8 =	sadd.s32 $0xFFFFE003, lr  }
0x1b: {  	s9 =	sadd.s32 $0xFFFFFEF7, lr;
	s5 =	simm.s32 $0xFFFFFFFF;
	p2 =	slt.u32 s8, $0xFFFFF086  }
0x1c: {  	p1 =	slt.u32 s9, $0xF7A;
	s5 =	simm.s32 @!p2 $0x0  }
0x1d: {  	s5 =	simm.s32 @p1 $0x1;
	p0 =	seq.s32 s7, s2  }
0x1e: {  	s7 =	smul.u32 @!p0 $0xF7A, s2;
	p2 =	seq.s32 @!p0 s5, $0x0  }
0x1f: {  	s9 =	smul.u32 $0xF7A, s1;
	s8 =	simm.s32 @!p0 $0x1BF5;
	p2 =	por !p2, p0  }
0x20: {  	[sflag:s8] =	ssyncset.s32 @!p0 $0xFFFFF086;
	s6 =	sadd.s32 @!p0 s3, s7;
	s7 =	simm.s32 @!p0 $0x108  }
0x21: {  	s3 =	sadd.s32 s3, s9;
	s6 =	sadd.s32 @!p0 $0x88, s6;
	s7 =	simm.s32 @p2 $0x1082  }
0x22: {  	[simem:s7], [sflag:s8] =	dma.local @!p0 [hbm:s6], $0xF7A  }
0x23: {  	s9 =	sor.u32 $0xD0000000, s2;
	s6 =	simm.s32 $0x108;
	_ =	swait.ge @!p0 [sflag:s8], $0x0  }
0x24: {  	s3 =	sadd.s32 $0x88, s3;
	s6 =	simm.s32 @!p1 $0x1082;
	[sflag:s4] =	ssyncset.s32 $0xFFFFF086  }
0x25: {  	[simem:s6], [sflag:s4] =	dma.local [hbm:s3], $0xF7A  }
0x26: {  	[smem:$0x3F9F] =	sst s1;
	(tag) =	ssettag s2;
	_ =	strace s9  }
0x27: {  	s1 =	sld [smem:$0x3FAF]  }
0x28: {  	s2 =	sld [smem:$0x3FB0]  }
0x29: {  	s4 =	sld [smem:$0x3FB2]  }
0x2a: {  	p0 =	seq.s32 s5, $0x0;
	s5 =	sld [smem:$0x3FB3]  }
0x2b: {  	s6 =	sld [smem:$0x3FB4]  }
0x2c: {  	s7 =	sld [smem:$0x3FB5]  }
0x2d: {  	s3 =	simm.s32 $0x108;
	s8 =	sld [smem:$0x3FB6]  }
0x2e: {  	s3 =	simm.s32 @!p0 $0x1082;
	s9 =	sld [smem:$0x3FB7]  }
0x2f: {  	lr =	sadd.s32 s0, s3;
	s0 =	sld [smem:$0x3FAE]  }
0x30: {  	s3 =	sld [smem:$0x3FB1]  }
0x31: {  	[smem:$0x3FBA] =	sst s10  }
0x32: {  	s10 =	sld [smem:$0x3FB8];
	_ =	sdelay $0x3  }
0x33: {  	p0 =	seq.s32 s10, $0x1;
	s10 =	sld [smem:$0x3FBA];
	_ =	sdelay $0x3  }
0x34: {  	[smem:$0x3FBA] =	sst s10  }
0x35: {  	s10 =	sld [smem:$0x3FB9];
	_ =	sdelay $0x3  }
0x36: {  	p1 =	seq.s32 s10, $0x1;
	s10 =	sld [smem:$0x3FBA];
	_ =	sdelay $0x3  }
0x37: {  	[smem:$0x3FBA] =	sst s10  }
0x38: {  	s10 =	sld [smem:$0x3FBB]  }
0x39: {  	_ = 	snop;
	(pc) =	sbr.ind lr, $3  }
0x3a: {  	_ = 	snop  }
0x3b: {  	_ = 	snop  }
0x3c: {  	p2 =	seq.s32 s10, $0x1;
	s10 =	sld [smem:$0x3FBA]  }
0x3d: {  	_ =	shalt  }
0x3e: {  	_ =	shalt  }
0x3f: {  	_ =	shalt  }
0x40: {  	_ =	shalt  }
0x41: {  	_ =	shalt  }
0x42: {  	_ =	shalt  }
0x43: {  	_ =	shalt  }
0x44: {  	_ =	shalt  }
0x45: {  	_ =	shalt  }
0x46: {  	_ =	shalt  }
0x47: {  	_ =	shalt  }
0x48: {  	_ =	shalt  }
0x49: {  	_ =	shalt  }
0x4a: {  	_ =	shalt  }
0x4b: {  	_ =	shalt  }
0x4c: {  	_ =	shalt  }
0x4d: {  	_ =	shalt  }
0x4e: {  	_ =	shalt  }
0x4f: {  	_ =	shalt  }
0x50: {  	_ =	shalt  }
0x51: {  	_ =	shalt  }
0x52: {  	_ =	shalt  }
0x53: {  	_ =	shalt  }
0x54: {  	_ =	shalt  }
0x55: {  	_ =	shalt  }
0x56: {  	_ =	shalt  }
0x57: {  	_ =	shalt  }
0x58: {  	_ =	shalt  }
0x59: {  	_ =	shalt  }
0x5a: {  	_ =	shalt  }
0x5b: {  	_ =	shalt  }
0x5c: {  	_ =	shalt  }
0x5d: {  	_ =	shalt  }
0x5e: {  	_ =	shalt  }
0x5f: {  	_ =	shalt  }
0x60: {  	_ =	shalt  }
0x61: {  	_ =	shalt  }
0x62: {  	_ =	shalt  }
0x63: {  	_ =	shalt  }
0x64: {  	_ =	shalt  }
0x65: {  	_ =	shalt  }
0x66: {  	_ =	shalt  }
0x67: {  	_ =	shalt  }
0x68: {  	_ =	shalt  }
0x69: {  	_ =	shalt  }
0x6a: {  	_ =	shalt  }
0x6b: {  	_ =	shalt  }
0x6c: {  	_ =	shalt  }
0x6d: {  	_ =	shalt  }
0x6e: {  	_ =	shalt  }
0x6f: {  	_ =	shalt  }
0x70: {  	_ =	shalt  }
0x71: {  	_ =	shalt  }
0x72: {  	_ =	shalt  }
0x73: {  	_ =	shalt  }
0x74: {  	_ =	shalt  }
0x75: {  	_ =	shalt  }
0x76: {  	_ =	shalt  }
0x77: {  	_ =	shalt  }
0x78: {  	_ =	shalt  }
0x79: {  	_ =	shalt  }
0x7a: {  	_ =	shalt  }
0x7b: {  	_ =	shalt  }
0x7c: {  	_ =	shalt  }
0x7d: {  	_ =	shalt  }
0x7e: {  	_ =	shalt  }
0x7f: {  	_ =	shalt  }
0x80: {  	_ =	shalt  }
0x81: {  	_ =	shalt  }
0x82: {  	_ =	shalt  }
0x83: {  	_ =	shalt  }
0x84: {  	_ =	shalt  }
0x85: {  	_ =	shalt  }
0x86: {  	_ =	shalt  }
0x87: {  	_ =	shalt  }
.Lfunc_end0:
.L_simem_size_0:
called_computation_lowered:
.L_overlay_start_0:
0x88: {  	s2 =	sld [smem:$0x3FD9]  }
0x89: {  	s3 =	sld [smem:$0x3FFE];
	_ =	sdelay $0x1  }
0x8a: {  	s1 =	srdreg.scid  }
0x8b: {  	s0 =	sand.u32 $0x1, s1  }
0x8c: {  	s14 =	sshll.u32 s0, $0xA;
	s2 =	sadd.s32 s3, s2  }
0x8d: {  	s2 =	sadd.s32 s2, s14  }
0x8e: {  	[smem:$0x3FC6] =	sst s2  }
0x8f: {  	_ = 	snop  }
0x90: {  	s2 =	sld [smem:$0x3FD0];
	_ =	sdelay $0x2  }
0x91: {  	s15 =	simm.s32 $0xA;
	s4 =	simm.s32 $0x10  }
0x92: {  	[smem:s4], [sflag:s15] =	dma.local [hbm:s2], $0x1  }
0x93: {  	_ =	swait.eq [sflag:s15], $0x1  }
0x94: {  	[sflag:s15] =	ssyncset.done $0x0  }
0x95: {  	[sflag:s15] =	ssyncadd.s32 $0xFFFFFFFF  }
0x96: {  	s16 =	sld [smem:$0x11];
	(tm) =	ssettm $0x1  }
0x97: {  	s17 =	sld [smem:$0x3FFB];
	_ =	sdelay $0x3  }
0x98: {  	_ =	strace s17  }
0x99: {  	s3 =	sld [smem:$0x3FFC];
	_ =	sdelay $0x3  }
0x9a: {  	_ =	strace s3  }
0x9b: {  	s3 =	sld [smem:$0x3FFD];
	_ =	sdelay $0x3  }
0x9c: {  	_ =	strace s3  }
0x9d: {  	_ =	strace $0x8FFFFFFF  }
0x9e: {  	s18 =	sld [smem:$0x3FDB];
	_ =	sdelay $0x1  }
0x9f: {  	s19 =	simm.s32 $_scs_section_size  }
0xa0: {  	s5 =	simm.s32 $_size__tile_overlayer_lowered;
	s6 =	simm.s32 $_tile_overlayer_lowered  }
0xa1: {  	s22 =	simm.s32 $0x1BFF;
	s21 =	sshll.u32 s6, $0x1;
	s3 =	sadd.s32 s19, s18  }
0xa2: {  	s7 =	simm.s32 $0x0;
	s20 =	sshll.u32 s5, $0x1;
	s5 =	sadd.s32 s21, s3  }
0xa3: {  	[timem:s7], [sflag:s22] =	dma.local [hbm:s5], s20  }
0xa4: {  	_ =	swait.ge [sflag:s22], s20  }
0xa5: {  	s4 =	ssub.s32 $0x0, s20;
	[sflag:s22] =	ssyncset.done $0x0  }
0xa6: {  	[sflag:s22] =	ssyncadd.s32 s4;
	_ =	sdelay $0x1  }
0xa7: {  	s23 =	simm.s32 $0x1B8B  }
0xa8: {  	_ =	swait.ge [sflag:s23], $0x1  }
0xa9: {  	[sflag:s23] =	ssyncset.done $0x0  }
0xaa: {  	s25 =	simm.s32 $0x1B8E;
	s24 =	sld [smem:$0x3FFE];
	[sflag:s23] =	ssyncadd.s32 $0xFFFFFFFF  }
0xab: {  	s26 =	simm.s32 $execute0_lowered;
	[smem:$0x3FD2] =	sst s25  }
0xac: {  	s5 =	sshll.u32 s26, $0x1;
	_ =	strace $0x80000046;
	[dreg:$0x1] =	wrdreg $0xFFFFFFFF  }
0xad: {  	s28 =	simm.s32 $_size_execute0_lowered;
	s3 =	sadd.s32 s3, s5;
	[dreg:$0x0] =	wrdreg $0x0  }
0xae: {  	s5 =	sshll.u32 s28, $0x1;
	[dreg:$0x2] =	wrdreg s3  }
0xaf: {  	[dreg:$0x3] =	wrdreg s5  }
0xb0: {  	[dreg:$0x4] =	wrdreg $0xC0  }
0xb1: {  	_ =	task [dreg:s7], $0x5FFFF  }
0xb2: {  	[dreg:$0x1] =	wrdreg $0xFFFFFFFF  }
0xb3: {  	[dreg:$0x0] =	wrdreg $0x60  }
0xb4: {  	[dreg:$0x2] =	wrdreg s24  }
0xb5: {  	[dreg:$0x3] =	wrdreg s16  }
0xb6: {  	[dreg:$0x4] =	wrdreg $0x9  }
0xb7: {  	_ =	task.clear_ibuf [dreg:s7], $0x5FFFF;
	_ =	strace $0x90000046  }
0xb8: {  	s29 =	simm.s32 $0x9;
	_ =	strace $0x80000048  }
0xb9: {  	_ =	swait.ge [sflag:s29], $0x1  }
0xba: {  	[sflag:s29] =	ssyncadd.s32 $0xFFFFFFFF  }
0xbb: {  	_ =	strace $0x90000048  }
0xbc: {  	_ =	sfence  }
0xbd: {  	s30 =	sld [smem:$0x0];
	_ =	sdelay $0x2  }
0xbe: {  	s31 =	sshll.u32 s1, $0xD;
	s1 =	sshrl.u32 s1, $0x2  }
0xbf: {  	s3 =	sand.u32 $0x4000, s31;
	s1 =	sadd.s32 s1, s30  }
0xc0: {  	s0 =	sor.u32 s3, s0;
	s1 =	sshll.u32 s1, $0x11  }
0xc1: {  	s0 =	sor.u32 s1, s0  }
0xc2: {  	s0 =	sadd.s32 $0x8F2B, s0  }
0xc3: {  	[sflag:s0] =	ssyncadd.remote.s32 $0x1  }
0xc4: {  	_ =	sfence.sel $0xFFFF  }
0xc5: {  	[dreg:$0x0] =	wrdreg $0xFFFFFFFF;
	(pc) =	sbr.abs _section_cstart, $3  }
0xc6: {  	[dreg:$0x1] =	wrdreg $0xFFFFFFFF  }
0xc7: {  	_ =	task.clear_ibuf [dreg:s7], $0x2FFFF;
	_ =	strace $0x9FFFFFFF  }
0xc8: {  	(tm) =	ssettm $0x7FFFFFFF  }
0xc9: {  	_ =	shalt  }
tec
execute0_lowered:
.L_overlay_start_1:
0x0: {  	(tag) =	ssettag $0x1  }
0x1: {  	s15 =	rddreg [dreg:$0x0]  }
0x2: {  	s4 =	rddreg [dreg:$0x1];
	s2 =	simm.s32 $0x0  }
0x3: {  	[smem:$0x7FF] =	sst s2;
	s13 =	sadd.s32 $0x400, s15  }
0x4: {  	s14 =	sadd.s32 $0x800, s15;
	_ =	strace $0x80000047;
	[dreg:$0x4] =	wrdreg s13  }
0x5: {  	s16 =	sadd.s32 $0xC00, s15;
	[dreg:$0x5] =	wrdreg s14  }
0x6: {  	s17 =	sadd.s32 $0x1000, s15;
	[dreg:$0x6] =	wrdreg s16  }
0x7: {  	s18 =	sadd.s32 $0x1400, s15;
	[dreg:$0x7] =	wrdreg s17  }
0x8: {  	s19 =	sadd.s32 $0x1800, s15;
	[dreg:$0x8] =	wrdreg s18  }
0x9: {  	s20 =	sadd.s32 $0x1C00, s15;
	[dreg:$0x9] =	wrdreg s19  }
0xa: {  	s21 =	sadd.s32 $0x2000, s15;
	[dreg:$0xa] =	wrdreg s20  }
0xb: {  	s22 =	sadd.s32 $0x2400, s15;
	[dreg:$0xb] =	wrdreg s21  }
0xc: {  	s23 =	sadd.s32 $0x2800, s15;
	[dreg:$0xc] =	wrdreg s22  }
0xd: {  	s24 =	sadd.s32 $0x2C00, s15;
	[dreg:$0xd] =	wrdreg s23  }
0xe: {  	s25 =	sadd.s32 $0x3000, s15;
	[dreg:$0xe] =	wrdreg s24  }
0xf: {  	s26 =	sadd.s32 $0x3400, s15;
	[dreg:$0xf] =	wrdreg s25  }
0x10: {  	s28 =	sadd.s32 $0x3800, s15;
	[dreg:$0x10] =	wrdreg s26  }
0x11: {  	s29 =	sadd.s32 $0x3C00, s15;
	[dreg:$0x11] =	wrdreg s28  }
0x12: {  	s30 =	sadd.s32 $0x4000, s15;
	[dreg:$0x12] =	wrdreg s29  }
0x13: {  	s31 =	sadd.s32 $0x4400, s15;
	[dreg:$0x13] =	wrdreg s30  }
0x14: {  	s3 =	sadd.s32 $0x4800, s15;
	[dreg:$0x14] =	wrdreg s31  }
0x15: {  	s6 =	sadd.s32 $0x4C00, s15;
	[dreg:$0x15] =	wrdreg s3  }
0x16: {  	s0 =	srdreg.scid;
	s8 =	sadd.s32 $0x5000, s15;
	[dreg:$0x16] =	wrdreg s6  }
0x17: {  	s7 =	stileid.u32;
	s9 =	sadd.s32 $0x5400, s15;
	[dreg:$0x17] =	wrdreg s8  }
0x18: {  	s1 =	sand.u32 $0x1, s0;
	s10 =	sadd.s32 $0x5800, s15;
	[dreg:$0x18] =	wrdreg s9  }
0x19: {  	s12 =	sshll.u32 s7, $0x1;
	s11 =	sadd.s32 $0x5C00, s15;
	[dreg:$0x19] =	wrdreg s10  }
0x1a: {  	s5 =	sor.u32 s1, s12;
	[dreg:$0x1a] =	wrdreg s11;
	s12 =	sadd.s32 $0x6000, s15  }
0x1b: {  	s13 =	sadd.s32 $0x6400, s15;
	[dreg:$0x1b] =	wrdreg s12  }
0x1c: {  	p0 =	por $0x0, $0x0;
	s14 =	sadd.s32 $0x6800, s15;
	[dreg:$0x1c] =	wrdreg s13  }
0x1d: {  	s16 =	sadd.s32 $0x6C00, s15;
	s17 =	sshrl.u32 s7, $0x1;
	[dreg:$0x1d] =	wrdreg s14  }
0x1e: {  	s6 =	sadd.s32 $0x7000, s15;
	s18 =	sadd.s32 $0x7400, s15;
	[dreg:$0x1e] =	wrdreg s16  }
0x1f: {  	s19 =	sadd.s32 $0x7800, s15;
	s20 =	sadd.s32 $0x7C00, s15;
	[dreg:$0x1f] =	wrdreg s6  }
0x20: {  	s21 =	simm.s32 $0x880;
	s22 =	simm.s32 $0x1080;
	[smem:$0x7F1] =	sst s18  }
0x21: {  	s23 =	simm.s32 $0x1880;
	s1 =	ssub.s32 $0x2, s1;
	[smem:$0x7F2] =	sst s19  }
0x22: {  	s24 =	simm.s32 $0x2080;
	s26 =	simm.s32 $0x2880;
	[smem:$0x7F3] =	sst s20  }
0x23: {  	s28 =	simm.s32 $0x3080;
	s29 =	simm.s32 $0x3880;
	[smem:$0x7F5] =	sst s21  }
0x24: {  	s30 =	simm.s32 $0x4080;
	s31 =	simm.s32 $0x4880;
	[smem:$0x7F6] =	sst s22  }
0x25: {  	s11 =	simm.s32 $0xD880;
	s10 =	simm.s32 $0xE080;
	[smem:$0x7F7] =	sst s23  }
0x26: {  	s0 =	sshll.u32 s5, $0x4;
	s5 =	sshll.u32 s5, $0x8;
	[smem:$0x7F8] =	sst s24  }
0x27: {  	s25 =	sshrl.u32 s1, $0x1;
	[smem:$0x7F9] =	sst s26;
	s0 =	sadd.s32 s0, s15  }
0x28: {  	[smem:$0x7FA] =	sst s28;
	s1 =	ssub.s32 s1, s25;
	s0 =	sadd.s32 $0x3E8000, s0  }
0x29: {  	s1 =	smax.u32 s1, $0x1;
	[dreg:$0x3] =	wrdreg s0;
	s0 =	smul.u32 $0x3E800, s17  }
0x2a: {  	[smem:$0x7FB] =	sst s29;
	s5 =	sand.u32 $0x300, s5;
	p1 =	sne.s32 s1, $0x1  }
.Ltmp0:
0x2b: {  	[smem:$0x7FC] =	sst s30;
	s0 =	sor.u32 s0, s5;
	(pc) =	sbr.rel @!p1 .LBB2_1-.Ltmp0, $4  }
0x2c: {  	s8 =	simm.s32 $0x1;
	[smem:$0x7FD] =	sst s31;
	s0 =	sshrl.u32 s0, $0x3  }
0x2d: {  	v1 =	vlaneseq.u32;
	s16 =	simm.s32 $0xC080;
	s13 =	simm.s32 $0xC880;
	s0 =	sadd.s32 s4, s0  }
0x2e: {  	v0 =	vand.u32 $0x1, v1;
	v1 =	vshrl.u32 v1, $0x1;
	s12 =	simm.s32 $0xD080;
	s14 =	simm.s32 $0xE880;
	[smem:$0x7F4] =	sst s0  }
0x2f: {  	vm0 =	vmmov $0xffff;
	vm1 =	vmmov $0xf;
	v1 =	vmul.u32 $0x8, v1;
	s3 =	sadd.s32 $0xFFFFFFFF, s1;
	s4 =	simm.s32 $0x2;
	s0 =	rddreg [dreg:$0x3]  }
0x30: {  	[tilespmem:s2], [sflag:$0x2] =	stream.linear.gather [hbm4b:s0+s2], $0x80, $0x38;
	[tilespmem:$0xFA80] =	vst v63  }
0x31: {  	_ =	swait.ge [sflag:s4], $0x80  }
0x32: {  	[sflag:s4] =	ssyncset.done $0x0  }
0x33: {  	[sflag:s4] =	ssyncadd.s32 $0xFFFFFF80  }
0x34: {  	v2 =	vld.msk [tilespmem:$0x0], $0x3;
	_ =	sdelay $0x4  }
0x35: {  	v3 =	vshrl.u32 v2, $0x3  }
0x36: {  	v3 =	vmul.u32 $0x7D0, v3  }
0x37: {  	v2 =	vand.u32 $0x7, v2  }
0x38: {  	v2 =	vor.u32 v2, v3  }
0x39: {  	v2 =	vperm.xlane v2, v0;
	_ =	sdelay $0x1  }
0x3a: {  	v2 =	vadd.s32 v1, v2  }
0x3b: {  	s7 =	sld [smem:$0x7F6]  }
0x3c: {  	s1 =	sld [smem:$0x7F5]  }
0x3d: {  	s0 =	rddreg [dreg:$0x4]  }
0x3e: {  	s9 =	simm.s32 $0x80;
	s20 =	rddreg [dreg:$0x5]  }
0x3f: {  	[tilespmem:s9], [sflag:$0x1] =	stream.indirect_vreg.gather [hbm4b:s15+s2], $0x80, v2, vm0, $0xb8;
	[tilespmem:$0xFA80] =	vst v63  }
0x40: {  	[smem:$0x7ED] =	sst s20  }
0x41: {  	[tilespmem:s1], [sflag:$0x1] =	stream.indirect_vreg.gather [hbm4b:s0+s2], $0x80, v2, vm0, $0xb8;
	[tilespmem:$0xFA80] =	vst v63  }
0x42: {  	s0 =	sld [smem:$0x7ED]  }
0x43: {  	s20 =	sld [smem:$0x7F7]  }
0x44: {  	s1 =	rddreg [dreg:$0x6]  }
0x45: {  	[tilespmem:s7], [sflag:$0x1] =	stream.indirect_vreg.gather [hbm4b:s0+s2], $0x80, v2, vm0, $0xb8;
	[tilespmem:$0xFA80] =	vst v63  }
0x46: {  	s7 =	sld [smem:$0x7F8]  }
0x47: {  	[tilespmem:s20], [sflag:$0x1] =	stream.indirect_vreg.gather [hbm4b:s1+s2], $0x80, v2, vm0, $0xb8;
	[tilespmem:$0xFA80] =	vst v63  }
0x48: {  	s20 =	sld [smem:$0x7F9]  }
0x49: {  	s0 =	rddreg [dreg:$0x7]  }
0x4a: {  	s1 =	rddreg [dreg:$0x8]  }
0x4b: {  	[smem:$0x7EE] =	sst s20  }
0x4c: {  	s20 =	sld [smem:$0x7EE]  }
0x4d: {  	[tilespmem:s7], [sflag:$0x1] =	stream.indirect_vreg.gather [hbm4b:s0+s2], $0x80, v2, vm0, $0xb8;
	[tilespmem:$0xFA80] =	vst v63  }
0x4e: {  	s7 =	sld [smem:$0x7FA]  }
0x4f: {  	[tilespmem:s20], [sflag:$0x1] =	stream.indirect_vreg.gather [hbm4b:s1+s2], $0x80, v2, vm0, $0xb8;
	[tilespmem:$0xFA80] =	vst v63  }
0x50: {  	s20 =	sld [smem:$0x7FB]  }
0x51: {  	s0 =	rddreg [dreg:$0x9]  }
0x52: {  	s1 =	rddreg [dreg:$0xa]  }
0x53: {  	[smem:$0x7EF] =	sst s20  }
0x54: {  	s20 =	rddreg [dreg:$0xb]  }
0x55: {  	[smem:$0x7F0] =	sst s20  }
0x56: {  	s20 =	sld [smem:$0x7EF]  }
0x57: {  	[tilespmem:s7], [sflag:$0x1] =	stream.indirect_vreg.gather [hbm4b:s0+s2], $0x80, v2, vm0, $0xb8;
	[tilespmem:$0xFA80] =	vst v63  }
0x58: {  	s7 =	sld [smem:$0x7FC]  }
0x59: {  	[tilespmem:s20], [sflag:$0x1] =	stream.indirect_vreg.gather [hbm4b:s1+s2], $0x80, v2, vm0, $0xb8;
	[tilespmem:$0xFA80] =	vst v63  }
0x5a: {  	s1 =	sld [smem:$0x7F0]  }
0x5b: {  	s0 =	rddreg [dreg:$0xc]  }
0x5c: {  	s20 =	sld [smem:$0x7FD]  }
0x5d: {  	[tilespmem:s7], [sflag:$0x1] =	stream.indirect_vreg.gather [hbm4b:s1+s2], $0x80, v2, vm0, $0xb8;
	[tilespmem:$0xFA80] =	vst v63  }
0x5e: {  	s7 =	rddreg [dreg:$0xd]  }
0x5f: {  	[tilespmem:s20], [sflag:$0x1] =	stream.indirect_vreg.gather [hbm4b:s0+s2], $0x80, v2, vm0, $0xb8;
	[tilespmem:$0xFA80] =	vst v63  }
0x60: {  	s0 =	rddreg [dreg:$0xe];
	s20 =	simm.s32 $0x5080  }
0x61: {  	[tilespmem:s20], [sflag:$0x1] =	stream.indirect_vreg.gather [hbm4b:s7+s2], $0x80, v2, vm0, $0xb8;
	[tilespmem:$0xFA80] =	vst v63  }
0x62: {  	s5 =	simm.s32 $0x5880;
	s7 =	rddreg [dreg:$0xf]  }
0x63: {  	[tilespmem:s5], [sflag:$0x1] =	stream.indirect_vreg.gather [hbm4b:s0+s2], $0x80, v2, vm0, $0xb8;
	[tilespmem:$0xFA80] =	vst v63  }
0x64: {  	s31 =	simm.s32 $0x6080;
	s20 =	rddreg [dreg:$0x10]  }
0x65: {  	[tilespmem:s31], [sflag:$0x1] =	stream.indirect_vreg.gather [hbm4b:s7+s2], $0x80, v2, vm0, $0xb8;
	[tilespmem:$0xFA80] =	vst v63  }
0x66: {  	s6 =	simm.s32 $0x6880;
	s5 =	rddreg [dreg:$0x11]  }
0x67: {  	[tilespmem:s6], [sflag:$0x1] =	stream.indirect_vreg.gather [hbm4b:s20+s2], $0x80, v2, vm0, $0xb8;
	[tilespmem:$0xFA80] =	vst v63  }
0x68: {  	s30 =	simm.s32 $0x7080;
	s7 =	rddreg [dreg:$0x12]  }
0x69: {  	[tilespmem:s30], [sflag:$0x1] =	stream.indirect_vreg.gather [hbm4b:s5+s2], $0x80, v2, vm0, $0xb8;
	[tilespmem:$0xFA80] =	vst v63  }
0x6a: {  	s29 =	simm.s32 $0x7880;
	s20 =	rddreg [dreg:$0x13]  }
0x6b: {  	[tilespmem:s29], [sflag:$0x1] =	stream.indirect_vreg.gather [hbm4b:s7+s2], $0x80, v2, vm0, $0xb8;
	[tilespmem:$0xFA80] =	vst v63  }
0x6c: {  	s28 =	simm.s32 $0x8080;
	s6 =	rddreg [dreg:$0x15]  }
0x6d: {  	[tilespmem:s28], [sflag:$0x1] =	stream.indirect_vreg.gather [hbm4b:s20+s2], $0x80, v2, vm0, $0xb8;
	[tilespmem:$0xFA80] =	vst v63  }
0x6e: {  	s26 =	simm.s32 $0x8880;
	s5 =	rddreg [dreg:$0x14]  }
0x6f: {  	[tilespmem:s26], [sflag:$0x1] =	stream.indirect_vreg.gather [hbm4b:s5+s2], $0x80, v2, vm0, $0xb8;
	[tilespmem:$0xFA80] =	vst v63  }
0x70: {  	s25 =	simm.s32 $0x9080;
	s7 =	rddreg [dreg:$0x16]  }
0x71: {  	[tilespmem:s25], [sflag:$0x1] =	stream.indirect_vreg.gather [hbm4b:s6+s2], $0x80, v2, vm0, $0xb8;
	[tilespmem:$0xFA80] =	vst v63  }
0x72: {  	s24 =	simm.s32 $0x9880;
	s20 =	rddreg [dreg:$0x17]  }
0x73: {  	[tilespmem:s24], [sflag:$0x1] =	stream.indirect_vreg.gather [hbm4b:s7+s2], $0x80, v2, vm0, $0xb8;
	[tilespmem:$0xFA80] =	vst v63  }
0x74: {  	s23 =	simm.s32 $0xA080;
	s26 =	rddreg [dreg:$0x1a]  }
0x75: {  	[tilespmem:s23], [sflag:$0x1] =	stream.indirect_vreg.gather [hbm4b:s20+s2], $0x80, v2, vm0, $0xb8;
	[tilespmem:$0xFA80] =	vst v63  }
0x76: {  	s22 =	simm.s32 $0xA880;
	s24 =	rddreg [dreg:$0x18]  }
0x77: {  	[tilespmem:s22], [sflag:$0x1] =	stream.indirect_vreg.gather [hbm4b:s24+s2], $0x80, v2, vm0, $0xb8;
	[tilespmem:$0xFA80] =	vst v63  }
0x78: {  	s21 =	simm.s32 $0xB080;
	s25 =	rddreg [dreg:$0x19]  }
0x79: {  	[tilespmem:s21], [sflag:$0x1] =	stream.indirect_vreg.gather [hbm4b:s25+s2], $0x80, v2, vm0, $0xb8;
	[tilespmem:$0xFA80] =	vst v63  }
0x7a: {  	s19 =	simm.s32 $0xB880;
	s5 =	rddreg [dreg:$0x1b]  }
0x7b: {  	[tilespmem:s19], [sflag:$0x1] =	stream.indirect_vreg.gather [hbm4b:s26+s2], $0x80, v2, vm0, $0xb8;
	[tilespmem:$0xFA80] =	vst v63  }
0x7c: {  	s6 =	rddreg [dreg:$0x1c]  }
0x7d: {  	[tilespmem:s16], [sflag:$0x1] =	stream.indirect_vreg.gather [hbm4b:s5+s2], $0x80, v2, vm0, $0xb8;
	[tilespmem:$0xFA80] =	vst v63  }
0x7e: {  	s7 =	rddreg [dreg:$0x1d]  }
0x7f: {  	[tilespmem:s13], [sflag:$0x1] =	stream.indirect_vreg.gather [hbm4b:s6+s2], $0x80, v2, vm0, $0xb8;
	[tilespmem:$0xFA80] =	vst v63  }
0x80: {  	s20 =	rddreg [dreg:$0x1f]  }
0x81: {  	[tilespmem:s12], [sflag:$0x1] =	stream.indirect_vreg.gather [hbm4b:s7+s2], $0x80, v2, vm0, $0xb8;
	[tilespmem:$0xFA80] =	vst v63  }
0x82: {  	s17 =	simm.s32 $0xF080;
	s18 =	simm.s32 $0xF880;
	s19 =	rddreg [dreg:$0x1e]  }
0x83: {  	[tilespmem:s11], [sflag:$0x1] =	stream.indirect_vreg.gather [hbm4b:s19+s2], $0x80, v2, vm0, $0xb8;
	[tilespmem:$0xFA80] =	vst v63  }
0x84: {  	p1 =	sne.s32 s3, $0x1;
	p0 =	por $0x1, $0x1;
	s21 =	sld [smem:$0x7F1]  }
0x85: {  	[tilespmem:s10], [sflag:$0x1] =	stream.indirect_vreg.gather [hbm4b:s20+s2], $0x80, v2, vm0, $0xb8;
	[tilespmem:$0xFA80] =	vst v63  }
0x86: {  	s1 =	sadd.s32 $0xFFFFFFFF, s3;
	s31 =	simm.s32 $0x6880;
	s22 =	sld [smem:$0x7F2]  }
0x87: {  	[tilespmem:s14], [sflag:$0x1] =	stream.indirect_vreg.gather [hbm4b:s21+s2], $0x80, v2, vm0, $0xb8;
	[tilespmem:$0xFA80] =	vst v63  }
0x88: {  	s30 =	simm.s32 $0x7080;
	s29 =	simm.s32 $0x7880;
	s23 =	sld [smem:$0x7F3]  }
0x89: {  	[tilespmem:s17], [sflag:$0x1] =	stream.indirect_vreg.gather [hbm4b:s22+s2], $0x80, v2, vm0, $0xb8;
	[tilespmem:$0xFA80] =	vst v63  }
0x8a: {  	s28 =	simm.s32 $0x8080;
	s25 =	simm.s32 $0x100;
	s26 =	simm.s32 $0x400  }
0x8b: {  	[tilespmem:s18], [sflag:$0x1] =	stream.indirect_vreg.gather [hbm4b:s23+s2], $0x80, v2, vm1, $0xb8;
	[tilespmem:$0xFA80] =	vst v63  }
0x8c: {  	s5 =	simm.s32 $0x6080;
	s19 =	simm.s32 $0x5880;
	_ =	swait.ge [sflag:s8], $0xFA00  }
0x8d: {  	s20 =	simm.s32 $0x400;
	s21 =	simm.s32 $0xB080;
	s24 =	sld [smem:$0x7F4]  }
.Ltmp1:
0x8e: {  	s22 =	simm.s32 $0xA880;
	[sflag:s8] =	ssyncset.done $0x0;
	(pc) =	sbr.rel @!p1 .LBB2_7-.Ltmp1, $4  }
0x8f: {  	s18 =	simm.s32 $0x80;
	s23 =	simm.s32 $0xA080;
	[sflag:s8] =	ssyncadd.s32 $0xFFFF0600  }
0x90: {  	[hbm4b:s24+s25] =	stream.strided.scatter [tilespmem:s9], [sflag:$0x2], $0xFA00, s26, s25, $0x38;
	[tilespmem:$0xFA80] =	vst v63  }
0x91: {  	s26 =	simm.s32 $0x8880;
	s25 =	simm.s32 $0x9080;
	_ =	swait.ge [sflag:s4], $0xFA00  }
0x92: {  	s24 =	simm.s32 $0x9880;
	s0 =	rddreg [dreg:$0x3];
	[sflag:s4] =	ssyncset.done $0x0  }
0x93: {  	s17 =	simm.s32 $0xF080  }
.LBB2_4:
0x94: {  	[sflag:s4] =	ssyncadd.s32 $0xFFFF0600  }
0x95: {  	[tilespmem:s2], [sflag:$0x2] =	stream.linear.gather [hbm4b:s0+s2], $0x80, $0x38;
	[tilespmem:$0xFA80] =	vst v63  }
0x96: {  	_ =	swait.ge [sflag:s4], $0x80  }
0x97: {  	[sflag:s4] =	ssyncset.done $0x0  }
0x98: {  	[sflag:s4] =	ssyncadd.s32 $0xFFFFFF80  }
0x99: {  	v2 =	vld.msk [tilespmem:$0x0], $0x3;
	_ =	sdelay $0x4  }
0x9a: {  	v3 =	vshrl.u32 v2, $0x3  }
0x9b: {  	s0 =	sld [smem:$0x7FD];
	v3 =	vmul.u32 $0x7D0, v3  }
0x9c: {  	s3 =	sld [smem:$0x7FC];
	v2 =	vand.u32 $0x7, v2  }
0x9d: {  	s6 =	sld [smem:$0x7FB];
	v2 =	vor.u32 v2, v3  }
0x9e: {  	s7 =	sld [smem:$0x7FA];
	v2 =	vperm.xlane v2, v0  }
0x9f: {  	s9 =	sld [smem:$0x7F9]  }
0xa0: {  	s10 =	sld [smem:$0x7F8];
	v2 =	vadd.s32 v1, v2  }
0xa1: {  	s11 =	sld [smem:$0x7F7]  }
0xa2: {  	s12 =	sld [smem:$0x7F6]  }
0xa3: {  	s13 =	sld [smem:$0x7F5]  }
0xa4: {  	s14 =	rddreg [dreg:$0x4]  }
0xa5: {  	[tilespmem:s18], [sflag:$0x1] =	stream.indirect_vreg.gather [hbm4b:s15+s2], $0x80, v2, vm0, $0xb8;
	[tilespmem:$0xFA80] =	vst v63  }
0xa6: {  	s16 =	smov.u32 s15;
	s15 =	rddreg [dreg:$0x5]  }
0xa7: {  	[tilespmem:s13], [sflag:$0x1] =	stream.indirect_vreg.gather [hbm4b:s14+s2], $0x80, v2, vm0, $0xb8;
	[tilespmem:$0xFA80] =	vst v63  }
0xa8: {  	s13 =	rddreg [dreg:$0x6]  }
0xa9: {  	[tilespmem:s12], [sflag:$0x1] =	stream.indirect_vreg.gather [hbm4b:s15+s2], $0x80, v2, vm0, $0xb8;
	[tilespmem:$0xFA80] =	vst v63  }
0xaa: {  	s12 =	rddreg [dreg:$0x7]  }
0xab: {  	[tilespmem:s11], [sflag:$0x1] =	stream.indirect_vreg.gather [hbm4b:s13+s2], $0x80, v2, vm0, $0xb8;
	[tilespmem:$0xFA80] =	vst v63  }
0xac: {  	s11 =	rddreg [dreg:$0x8]  }
0xad: {  	[tilespmem:s10], [sflag:$0x1] =	stream.indirect_vreg.gather [hbm4b:s12+s2], $0x80, v2, vm0, $0xb8;
	[tilespmem:$0xFA80] =	vst v63  }
0xae: {  	s10 =	rddreg [dreg:$0x9]  }
0xaf: {  	[tilespmem:s9], [sflag:$0x1] =	stream.indirect_vreg.gather [hbm4b:s11+s2], $0x80, v2, vm0, $0xb8;
	[tilespmem:$0xFA80] =	vst v63  }
0xb0: {  	s9 =	rddreg [dreg:$0xa]  }
0xb1: {  	[tilespmem:s7], [sflag:$0x1] =	stream.indirect_vreg.gather [hbm4b:s10+s2], $0x80, v2, vm0, $0xb8;
	[tilespmem:$0xFA80] =	vst v63  }
0xb2: {  	s7 =	rddreg [dreg:$0xb]  }
0xb3: {  	[tilespmem:s6], [sflag:$0x1] =	stream.indirect_vreg.gather [hbm4b:s9+s2], $0x80, v2, vm0, $0xb8;
	[tilespmem:$0xFA80] =	vst v63  }
0xb4: {  	s9 =	rddreg [dreg:$0xc]  }
0xb5: {  	[tilespmem:s3], [sflag:$0x1] =	stream.indirect_vreg.gather [hbm4b:s7+s2], $0x80, v2, vm0, $0xb8;
	[tilespmem:$0xFA80] =	vst v63  }
0xb6: {  	s7 =	rddreg [dreg:$0xd]  }
0xb7: {  	[tilespmem:s0], [sflag:$0x1] =	stream.indirect_vreg.gather [hbm4b:s9+s2], $0x80, v2, vm0, $0xb8;
	[tilespmem:$0xFA80] =	vst v63  }
0xb8: {  	s3 =	rddreg [dreg:$0x1b];
	s9 =	simm.s32 $0x5080  }
0xb9: {  	[tilespmem:s9], [sflag:$0x1] =	stream.indirect_vreg.gather [hbm4b:s7+s2], $0x80, v2, vm0, $0xb8;
	[tilespmem:$0xFA80] =	vst v63  }
0xba: {  	s0 =	rddreg [dreg:$0xe]  }
0xbb: {  	[tilespmem:s19], [sflag:$0x1] =	stream.indirect_vreg.gather [hbm4b:s0+s2], $0x80, v2, vm0, $0xb8;
	[tilespmem:$0xFA80] =	vst v63  }
0xbc: {  	s9 =	rddreg [dreg:$0xf]  }
0xbd: {  	[tilespmem:s5], [sflag:$0x1] =	stream.indirect_vreg.gather [hbm4b:s9+s2], $0x80, v2, vm0, $0xb8;
	[tilespmem:$0xFA80] =	vst v63  }
0xbe: {  	s7 =	rddreg [dreg:$0x10]  }
0xbf: {  	[tilespmem:s31], [sflag:$0x1] =	stream.indirect_vreg.gather [hbm4b:s7+s2], $0x80, v2, vm0, $0xb8;
	[tilespmem:$0xFA80] =	vst v63  }
0xc0: {  	s9 =	rddreg [dreg:$0x11]  }
0xc1: {  	[tilespmem:s30], [sflag:$0x1] =	stream.indirect_vreg.gather [hbm4b:s9+s2], $0x80, v2, vm0, $0xb8;
	[tilespmem:$0xFA80] =	vst v63  }
0xc2: {  	s7 =	rddreg [dreg:$0x12]  }
0xc3: {  	[tilespmem:s29], [sflag:$0x1] =	stream.indirect_vreg.gather [hbm4b:s7+s2], $0x80, v2, vm0, $0xb8;
	[tilespmem:$0xFA80] =	vst v63  }
0xc4: {  	s9 =	rddreg [dreg:$0x13]  }
0xc5: {  	[tilespmem:s28], [sflag:$0x1] =	stream.indirect_vreg.gather [hbm4b:s9+s2], $0x80, v2, vm0, $0xb8;
	[tilespmem:$0xFA80] =	vst v63  }
0xc6: {  	s7 =	rddreg [dreg:$0x14]  }
0xc7: {  	[tilespmem:s26], [sflag:$0x1] =	stream.indirect_vreg.gather [hbm4b:s7+s2], $0x80, v2, vm0, $0xb8;
	[tilespmem:$0xFA80] =	vst v63  }
0xc8: {  	s9 =	rddreg [dreg:$0x15]  }
0xc9: {  	[tilespmem:s25], [sflag:$0x1] =	stream.indirect_vreg.gather [hbm4b:s9+s2], $0x80, v2, vm0, $0xb8;
	[tilespmem:$0xFA80] =	vst v63  }
0xca: {  	s7 =	rddreg [dreg:$0x16]  }
0xcb: {  	[tilespmem:s24], [sflag:$0x1] =	stream.indirect_vreg.gather [hbm4b:s7+s2], $0x80, v2, vm0, $0xb8;
	[tilespmem:$0xFA80] =	vst v63  }
0xcc: {  	s9 =	rddreg [dreg:$0x17]  }
0xcd: {  	[tilespmem:s23], [sflag:$0x1] =	stream.indirect_vreg.gather [hbm4b:s9+s2], $0x80, v2, vm0, $0xb8;
	[tilespmem:$0xFA80] =	vst v63  }
0xce: {  	s7 =	rddreg [dreg:$0x18]  }
0xcf: {  	[tilespmem:s22], [sflag:$0x1] =	stream.indirect_vreg.gather [hbm4b:s7+s2], $0x80, v2, vm0, $0xb8;
	[tilespmem:$0xFA80] =	vst v63  }
0xd0: {  	s9 =	rddreg [dreg:$0x19]  }
0xd1: {  	[tilespmem:s21], [sflag:$0x1] =	stream.indirect_vreg.gather [hbm4b:s9+s2], $0x80, v2, vm0, $0xb8;
	[tilespmem:$0xFA80] =	vst v63  }
0xd2: {  	s7 =	rddreg [dreg:$0x1a];
	s9 =	simm.s32 $0xB880  }
0xd3: {  	[tilespmem:s9], [sflag:$0x1] =	stream.indirect_vreg.gather [hbm4b:s7+s2], $0x80, v2, vm0, $0xb8;
	[tilespmem:$0xFA80] =	vst v63  }
0xd4: {  	s15 =	smov.u32 s16;
	s16 =	simm.s32 $0xC080;
	s9 =	rddreg [dreg:$0x1c]  }
0xd5: {  	[tilespmem:s16], [sflag:$0x1] =	stream.indirect_vreg.gather [hbm4b:s3+s2], $0x80, v2, vm0, $0xb8;
	[tilespmem:$0xFA80] =	vst v63  }
0xd6: {  	s13 =	simm.s32 $0xC880;
	s7 =	rddreg [dreg:$0x1d]  }
0xd7: {  	[tilespmem:s13], [sflag:$0x1] =	stream.indirect_vreg.gather [hbm4b:s9+s2], $0x80, v2, vm0, $0xb8;
	[tilespmem:$0xFA80] =	vst v63  }
0xd8: {  	s12 =	simm.s32 $0xD080;
	s9 =	rddreg [dreg:$0x1e]  }
0xd9: {  	[tilespmem:s12], [sflag:$0x1] =	stream.indirect_vreg.gather [hbm4b:s7+s2], $0x80, v2, vm0, $0xb8;
	[tilespmem:$0xFA80] =	vst v63  }
0xda: {  	s11 =	simm.s32 $0xD880;
	s7 =	rddreg [dreg:$0x1f]  }
0xdb: {  	[tilespmem:s11], [sflag:$0x1] =	stream.indirect_vreg.gather [hbm4b:s9+s2], $0x80, v2, vm0, $0xb8;
	[tilespmem:$0xFA80] =	vst v63  }
0xdc: {  	s10 =	simm.s32 $0xE080;
	s9 =	sld [smem:$0x7F1]  }
0xdd: {  	[tilespmem:s10], [sflag:$0x1] =	stream.indirect_vreg.gather [hbm4b:s7+s2], $0x80, v2, vm0, $0xb8;
	[tilespmem:$0xFA80] =	vst v63  }
0xde: {  	s14 =	simm.s32 $0xE880;
	s7 =	sld [smem:$0x7F2]  }
0xdf: {  	[tilespmem:s14], [sflag:$0x1] =	stream.indirect_vreg.gather [hbm4b:s9+s2], $0x80, v2, vm0, $0xb8;
	[tilespmem:$0xFA80] =	vst v63  }
0xe0: {  	s9 =	sld [smem:$0x7F3]  }
0xe1: {  	[tilespmem:s17], [sflag:$0x1] =	stream.indirect_vreg.gather [hbm4b:s7+s2], $0x80, v2, vm0, $0xb8;
	[tilespmem:$0xFA80] =	vst v63  }
0xe2: {  	s6 =	simm.s32 $0xF880  }
0xe3: {  	[tilespmem:s6], [sflag:$0x1] =	stream.indirect_vreg.gather [hbm4b:s9+s2], $0x80, v2, vm1, $0xb8;
	[tilespmem:$0xFA80] =	vst v63  }
0xe4: {  	_ =	swait.ge [sflag:s8], $0xFA00  }
0xe5: {  	p1 =	sne.s32 s1, $0x1;
	s7 =	sld [smem:$0x7F4]  }
.Ltmp2:
0xe6: {  	[sflag:s8] =	ssyncset.done $0x0;
	(pc) =	sbr.rel @p1 .LBB2_4-.Ltmp2, $4  }
0xe7: {  	s9 =	simm.s32 $0x100;
	[sflag:s8] =	ssyncadd.s32 $0xFFFF0600  }
0xe8: {  	[hbm4b:s7+s9] =	stream.strided.scatter [tilespmem:s18], [sflag:$0x2], $0xFA00, s20, s9, $0x38;
	[tilespmem:$0xFA80] =	vst v63  }
0xe9: {  	_ =	swait.ge [sflag:s4], $0xFA00  }
0xea: {  	s1 =	sadd.s32 $0xFFFFFFFF, s1;
	s0 =	rddreg [dreg:$0x3];
	[sflag:s4] =	ssyncset.done $0x0  }
0xeb: {  	s18 =	simm.s32 $0x5080  }
0xec: {  	s20 =	simm.s32 $0x5880;
	s5 =	simm.s32 $0x6080;
	s31 =	simm.s32 $0x6880  }
0xed: {  	s30 =	simm.s32 $0x7080;
	s29 =	simm.s32 $0x7880;
	s28 =	simm.s32 $0x8080  }
0xee: {  	s26 =	simm.s32 $0x8880;
	s25 =	simm.s32 $0x9080;
	s24 =	simm.s32 $0x9880  }
0xef: {  	s23 =	simm.s32 $0xA080;
	s22 =	simm.s32 $0xA880;
	s21 =	simm.s32 $0xB080  }
0xf0: {  	s19 =	simm.s32 $0xB880;
	s17 =	simm.s32 $0xF080;
	s7 =	stileid.u32  }
.LBB2_6:
0xf1: {  	[sflag:s4] =	ssyncadd.s32 @p0 $0xFFFF0600  }
0xf2: {  	[tilespmem:s2], [sflag:$0x2] =	stream.linear.gather [hbm4b:s0+s2], $0x80, $0x38;
	[tilespmem:$0xFA80] =	vst v63  }
0xf3: {  	_ =	swait.ge [sflag:s4], $0x80  }
0xf4: {  	[sflag:s4] =	ssyncset.done $0x0  }
0xf5: {  	[sflag:s4] =	ssyncadd.s32 $0xFFFFFF80  }
0xf6: {  	v2 =	vld.msk [tilespmem:$0x0], $0x3;
	_ =	sdelay $0x4  }
0xf7: {  	v3 =	vshrl.u32 v2, $0x3  }
0xf8: {  	v3 =	vmul.u32 $0x7D0, v3  }
0xf9: {  	v2 =	vand.u32 $0x7, v2  }
0xfa: {  	v2 =	vor.u32 v2, v3  }
0xfb: {  	v0 =	vperm.xlane v2, v0;
	_ =	sdelay $0x1  }
0xfc: {  	v0 =	vadd.s32 v1, v0;
	_ =	sdelay $0x2  }
0xfd: {  	s6 =	sld [smem:$0x7F5]  }
0xfe: {  	s9 =	simm.s32 $0x80;
	s1 =	rddreg [dreg:$0x4]  }
0xff: {  	[tilespmem:s9], [sflag:$0x1] =	stream.indirect_vreg.gather [hbm4b:s15+s2], $0x80, v0, vm0, $0xb8;
	[tilespmem:$0xFA80] =	vst v63  }
0x100: {  	s3 =	sld [smem:$0x7F7]  }
0x101: {  	[tilespmem:s6], [sflag:$0x1] =	stream.indirect_vreg.gather [hbm4b:s1+s2], $0x80, v0, vm0, $0xb8;
	[tilespmem:$0xFA80] =	vst v63  }
0x102: {  	s1 =	sld [smem:$0x7F6]  }
0x103: {  	s15 =	rddreg [dreg:$0x5]  }
0x104: {  	s6 =	rddreg [dreg:$0x6]  }
0x105: {  	[tilespmem:s1], [sflag:$0x1] =	stream.indirect_vreg.gather [hbm4b:s15+s2], $0x80, v0, vm0, $0xb8;
	[tilespmem:$0xFA80] =	vst v63  }
0x106: {  	s1 =	sld [smem:$0x7F8]  }
0x107: {  	s15 =	rddreg [dreg:$0x8]  }
0x108: {  	[tilespmem:s3], [sflag:$0x1] =	stream.indirect_vreg.gather [hbm4b:s6+s2], $0x80, v0, vm0, $0xb8;
	[tilespmem:$0xFA80] =	vst v63  }
0x109: {  	s3 =	rddreg [dreg:$0x7]  }
0x10a: {  	s6 =	sld [smem:$0x7F9]  }
0x10b: {  	[tilespmem:s1], [sflag:$0x1] =	stream.indirect_vreg.gather [hbm4b:s3+s2], $0x80, v0, vm0, $0xb8;
	[tilespmem:$0xFA80] =	vst v63  }
0x10c: {  	s1 =	sld [smem:$0x7FA]  }
0x10d: {  	s3 =	rddreg [dreg:$0x9]  }
0x10e: {  	[tilespmem:s6], [sflag:$0x1] =	stream.indirect_vreg.gather [hbm4b:s15+s2], $0x80, v0, vm0, $0xb8;
	[tilespmem:$0xFA80] =	vst v63  }
0x10f: {  	s6 =	sld [smem:$0x7FB]  }
0x110: {  	s15 =	rddreg [dreg:$0xa]  }
0x111: {  	[tilespmem:s1], [sflag:$0x1] =	stream.indirect_vreg.gather [hbm4b:s3+s2], $0x80, v0, vm0, $0xb8;
	[tilespmem:$0xFA80] =	vst v63  }
0x112: {  	s1 =	sld [smem:$0x7FC]  }
0x113: {  	s3 =	rddreg [dreg:$0xb]  }
0x114: {  	[tilespmem:s6], [sflag:$0x1] =	stream.indirect_vreg.gather [hbm4b:s15+s2], $0x80, v0, vm0, $0xb8;
	[tilespmem:$0xFA80] =	vst v63  }
0x115: {  	s6 =	sld [smem:$0x7FD]  }
0x116: {  	s15 =	rddreg [dreg:$0xc]  }
0x117: {  	[tilespmem:s1], [sflag:$0x1] =	stream.indirect_vreg.gather [hbm4b:s3+s2], $0x80, v0, vm0, $0xb8;
	[tilespmem:$0xFA80] =	vst v63  }
0x118: {  	s1 =	rddreg [dreg:$0xd]  }
0x119: {  	[tilespmem:s6], [sflag:$0x1] =	stream.indirect_vreg.gather [hbm4b:s15+s2], $0x80, v0, vm0, $0xb8;
	[tilespmem:$0xFA80] =	vst v63  }
0x11a: {  	s3 =	rddreg [dreg:$0xf]  }
0x11b: {  	[tilespmem:s18], [sflag:$0x1] =	stream.indirect_vreg.gather [hbm4b:s1+s2], $0x80, v0, vm0, $0xb8;
	[tilespmem:$0xFA80] =	vst v63  }
0x11c: {  	s15 =	rddreg [dreg:$0xe]  }
0x11d: {  	[tilespmem:s20], [sflag:$0x1] =	stream.indirect_vreg.gather [hbm4b:s15+s2], $0x80, v0, vm0, $0xb8;
	[tilespmem:$0xFA80] =	vst v63  }
0x11e: {  	s6 =	rddreg [dreg:$0x10]  }
0x11f: {  	[tilespmem:s5], [sflag:$0x1] =	stream.indirect_vreg.gather [hbm4b:s3+s2], $0x80, v0, vm0, $0xb8;
	[tilespmem:$0xFA80] =	vst v63  }
0x120: {  	s18 =	rddreg [dreg:$0x12]  }
0x121: {  	[tilespmem:s31], [sflag:$0x1] =	stream.indirect_vreg.gather [hbm4b:s6+s2], $0x80, v0, vm0, $0xb8;
	[tilespmem:$0xFA80] =	vst v63  }
0x122: {  	s15 =	rddreg [dreg:$0x11]  }
0x123: {  	[tilespmem:s30], [sflag:$0x1] =	stream.indirect_vreg.gather [hbm4b:s15+s2], $0x80, v0, vm0, $0xb8;
	[tilespmem:$0xFA80] =	vst v63  }
0x124: {  	s20 =	rddreg [dreg:$0x13]  }
0x125: {  	[tilespmem:s29], [sflag:$0x1] =	stream.indirect_vreg.gather [hbm4b:s18+s2], $0x80, v0, vm0, $0xb8;
	[tilespmem:$0xFA80] =	vst v63  }
0x126: {  	s3 =	rddreg [dreg:$0x17]  }
0x127: {  	[tilespmem:s28], [sflag:$0x1] =	stream.indirect_vreg.gather [hbm4b:s20+s2], $0x80, v0, vm0, $0xb8;
	[tilespmem:$0xFA80] =	vst v63  }
0x128: {  	s29 =	rddreg [dreg:$0x14]  }
0x129: {  	[tilespmem:s26], [sflag:$0x1] =	stream.indirect_vreg.gather [hbm4b:s29+s2], $0x80, v0, vm0, $0xb8;
	[tilespmem:$0xFA80] =	vst v63  }
0x12a: {  	s30 =	rddreg [dreg:$0x15]  }
0x12b: {  	[tilespmem:s25], [sflag:$0x1] =	stream.indirect_vreg.gather [hbm4b:s30+s2], $0x80, v0, vm0, $0xb8;
	[tilespmem:$0xFA80] =	vst v63  }
0x12c: {  	s31 =	rddreg [dreg:$0x16]  }
0x12d: {  	[tilespmem:s24], [sflag:$0x1] =	stream.indirect_vreg.gather [hbm4b:s31+s2], $0x80, v0, vm0, $0xb8;
	[tilespmem:$0xFA80] =	vst v63  }
0x12e: {  	s5 =	rddreg [dreg:$0x18]  }
0x12f: {  	[tilespmem:s23], [sflag:$0x1] =	stream.indirect_vreg.gather [hbm4b:s3+s2], $0x80, v0, vm0, $0xb8;
	[tilespmem:$0xFA80] =	vst v63  }
0x130: {  	s6 =	rddreg [dreg:$0x19]  }
0x131: {  	[tilespmem:s22], [sflag:$0x1] =	stream.indirect_vreg.gather [hbm4b:s5+s2], $0x80, v0, vm0, $0xb8;
	[tilespmem:$0xFA80] =	vst v63  }
0x132: {  	s15 =	rddreg [dreg:$0x1a]  }
0x133: {  	[tilespmem:s21], [sflag:$0x1] =	stream.indirect_vreg.gather [hbm4b:s6+s2], $0x80, v0, vm0, $0xb8;
	[tilespmem:$0xFA80] =	vst v63  }
0x134: {  	s18 =	rddreg [dreg:$0x1b]  }
0x135: {  	[tilespmem:s19], [sflag:$0x1] =	stream.indirect_vreg.gather [hbm4b:s15+s2], $0x80, v0, vm0, $0xb8;
	[tilespmem:$0xFA80] =	vst v63  }
0x136: {  	s20 =	rddreg [dreg:$0x1c]  }
0x137: {  	[tilespmem:s16], [sflag:$0x1] =	stream.indirect_vreg.gather [hbm4b:s18+s2], $0x80, v0, vm0, $0xb8;
	[tilespmem:$0xFA80] =	vst v63  }
0x138: {  	s24 =	sld [smem:$0x7F1]  }
0x139: {  	[tilespmem:s13], [sflag:$0x1] =	stream.indirect_vreg.gather [hbm4b:s20+s2], $0x80, v0, vm0, $0xb8;
	[tilespmem:$0xFA80] =	vst v63  }
0x13a: {  	s21 =	rddreg [dreg:$0x1d]  }
0x13b: {  	[tilespmem:s12], [sflag:$0x1] =	stream.indirect_vreg.gather [hbm4b:s21+s2], $0x80, v0, vm0, $0xb8;
	[tilespmem:$0xFA80] =	vst v63  }
0x13c: {  	s22 =	rddreg [dreg:$0x1e]  }
0x13d: {  	[tilespmem:s11], [sflag:$0x1] =	stream.indirect_vreg.gather [hbm4b:s22+s2], $0x80, v0, vm0, $0xb8;
	[tilespmem:$0xFA80] =	vst v63  }
0x13e: {  	s23 =	rddreg [dreg:$0x1f]  }
0x13f: {  	[tilespmem:s10], [sflag:$0x1] =	stream.indirect_vreg.gather [hbm4b:s23+s2], $0x80, v0, vm0, $0xb8;
	[tilespmem:$0xFA80] =	vst v63  }
0x140: {  	s25 =	sld [smem:$0x7F2]  }
0x141: {  	[tilespmem:s14], [sflag:$0x1] =	stream.indirect_vreg.gather [hbm4b:s24+s2], $0x80, v0, vm0, $0xb8;
	[tilespmem:$0xFA80] =	vst v63  }
0x142: {  	s26 =	sld [smem:$0x7F3]  }
0x143: {  	[tilespmem:s17], [sflag:$0x1] =	stream.indirect_vreg.gather [hbm4b:s25+s2], $0x80, v0, vm0, $0xb8;
	[tilespmem:$0xFA80] =	vst v63  }
0x144: {  	s28 =	simm.s32 $0xF880  }
0x145: {  	[tilespmem:s28], [sflag:$0x1] =	stream.indirect_vreg.gather [hbm4b:s26+s2], $0x80, v0, vm1, $0xb8;
	[tilespmem:$0xFA80] =	vst v63  }
0x146: {  	_ =	swait.ge [sflag:s8], $0xFA00  }
0x147: {  	s29 =	sld [smem:$0x7F4]  }
0x148: {  	[sflag:s8] =	ssyncset.done $0x0  }
0x149: {  	s30 =	simm.s32 $0x400;
	s31 =	simm.s32 $0x100;
	[sflag:s8] =	ssyncadd.s32 $0xFFFF0600  }
0x14a: {  	[hbm4b:s29+s31] =	stream.strided.scatter [tilespmem:s9], [sflag:$0x2], $0xFA00, s30, s31, $0x38;
	[tilespmem:$0xFA80] =	vst v63  }
0x14b: {  	_ =	swait.ge [sflag:s4], $0xFA00  }
0x14c: {  	[sflag:s4] =	ssyncset.done $0x0  }
0x14d: {  	[sflag:s4] =	ssyncadd.s32 $0xFFFF0600  }
0x14e: {  	_ =	sfence.sel $0x180000  }
0x14f: {  	[bflag:$0x0] =	sbarrier.arrive $0xFFFF  }
0x150: {  	_ =	strace $0x90000047  }
0x151: {  	[bflag:$0x2] =	sbarrier.arrive $0xFFFF  }
0x152: {  	p0 =	sne.s32 s7, $0x0;
	s0 =	rddreg [dreg:$0x2]  }
0x153: {  	s0 =	sadd.s32 @!p0 $0x100000, s0  }
0x154: {  	[sflag:s0] =	ssyncadd.tile.s32 @!p0 $0x1;
	_ =	shalt  }
.LBB2_1:
0x155: {  	s18 =	simm.s32 $0x5080  }
.Ltmp3:
0x156: {  	s20 =	simm.s32 $0x5880;
	s5 =	simm.s32 $0x6080;
	(pc) =	sbr.rel .LBB2_6-.Ltmp3, $4  }
0x157: {  	s31 =	simm.s32 $0x6880;
	s30 =	simm.s32 $0x7080;
	s29 =	simm.s32 $0x7880  }
0x158: {  	s28 =	simm.s32 $0x8080;
	s26 =	simm.s32 $0x8880;
	s25 =	simm.s32 $0x9080  }
0x159: {  	s24 =	simm.s32 $0x9880;
	s23 =	simm.s32 $0xA080;
	s22 =	simm.s32 $0xA880  }
0x15a: {  	s21 =	simm.s32 $0xB080;
	s19 =	simm.s32 $0xB880;
	s17 =	simm.s32 $0xF080  }
.LBB2_7:
0x15b: {  	s18 =	simm.s32 $0x5080;
	s20 =	simm.s32 $0x5880  }
.Ltmp4:
0x15c: {  	s5 =	simm.s32 $0x6080;
	s31 =	simm.s32 $0x6880;
	(pc) =	sbr.rel .LBB2_6-.Ltmp4, $4  }
0x15d: {  	s30 =	simm.s32 $0x7080;
	s29 =	simm.s32 $0x7880;
	s28 =	simm.s32 $0x8080  }
0x15e: {  	s26 =	simm.s32 $0x8880;
	s25 =	simm.s32 $0x9080;
	s24 =	simm.s32 $0x9880  }
0x15f: {  	s23 =	simm.s32 $0xA080;
	s22 =	simm.s32 $0xA880;
	s21 =	simm.s32 $0xB080  }
0x160: {  	s19 =	simm.s32 $0xB880;
	s17 =	simm.s32 $0xF080;
	s7 =	stileid.u32  }
.Lfunc_end2:
_tile_overlayer_lowered:
.L_overlay_start_2:
0x161: {  	(tag) =	ssettag $0x2  }
0x162: {  	s0 =	rddreg [dreg:$0x0];
	s2 =	stileid.u32  }
0x163: {  	s1 =	rddreg [dreg:$0x1];
	p0 =	sne.s32 s2, $0x0  }
0x164: {  	s3 =	rddreg [dreg:$0x2];
	[bflag:$0x3] =	sbarrier.arrive $0xFFFF;
	s2 =	simm.s32 @!p0 $0x1C02  }
0x165: {  	[timem:s3], [sflag:s2] =	dma.local @!p0 [hbm:s0], s1  }
0x166: {  	s0 =	simm.s32 @!p0 $0x2  }
0x167: {  	_ =	swait.ge @!p0 [sflag:s0], s1  }
0x168: {  	s1 =	ssub.s32 @!p0 $0x0, s1;
	[sflag:s0] =	ssyncset.done @!p0 $0x0  }
0x169: {  	[sflag:s0] =	ssyncadd.s32 @!p0 s1  }
0x16a: {  	[bflag:$0x3] =	sbarrier.arrive $0xFFFF  }
0x16b: {  	_ =	shalt  }

</sc_bundles>
